<compile_context>
chip_gen: v7x
topology: tpu7x:2x2x1
jax: 0.10.2.dev20260603
libtpu: 0.0.44.dev20260713+nightly
codegen_flags: <defaults>
</compile_context>

<pallas_src>
import functools

import jax
import jax.numpy as jnp
from jax import lax
from jax.experimental import pallas as pl
from jax.experimental.pallas import tpu as pltpu
from jax.experimental.pallas import tpu_sc as plsc

_NC = 2
_NS = 16
_NW = _NC * _NS
_LANES = 16

_C = 96
_H = 512
_W = 512
_K = 512
_ROWS = 16


def _make_sc_call(C, H, W, K, rows, interpret=False):
    cpw = C // _NW
    chunk = rows * W
    nchunk = H // rows
    acc_words = K * _LANES

    mesh = plsc.VectorSubcoreMesh(core_axis_name="c", subcore_axis_name="s",
                                  num_cores=_NC, num_subcores=_NS)

    @functools.partial(
        pl.kernel,
        out_type=[
            jax.ShapeDtypeStruct((C * acc_words,), jnp.float32),
            jax.ShapeDtypeStruct((C * acc_words,), jnp.float32),
            jax.ShapeDtypeStruct((acc_words,), jnp.float32),
        ],
        mesh=mesh,
        scratch_types=[
            pltpu.VMEM((2, rows, W), jnp.int32),
            pltpu.VMEM((2, cpw, rows, W), jnp.float32),
            pltpu.VMEM((cpw * acc_words,), jnp.float32),
            pltpu.VMEM((cpw * acc_words,), jnp.float32),
            pltpu.VMEM((acc_words,), jnp.float32),
            pltpu.SemaphoreType.DMA,
            pltpu.SemaphoreType.DMA,
        ],
        compiler_params=pltpu.CompilerParams(needs_layout_passes=False),
        interpret=interpret,
    )
    def sc_call(x_hbm, seg_hbm, sums_hbm, sq_hbm, cnt_hbm,
                seg_v, x_v, sum_acc, sq_acc, cnt_acc, sem0, sem1):
        w = lax.axis_index("c") * _NS + lax.axis_index("s")
        c0 = w * cpw
        zeros = jnp.zeros((_LANES,), jnp.float32)
        ones = jnp.ones((_LANES,), jnp.float32)
        lane = lax.iota(jnp.int32, _LANES)

        def _copies(g, b, sem):
            r0 = g * rows
            return [
                pltpu.make_async_copy(
                    seg_hbm.at[0, pl.ds(r0, rows), :], seg_v.at[b], sem),
                pltpu.make_async_copy(
                    x_hbm.at[0, pl.ds(c0, cpw), pl.ds(r0, rows), :],
                    x_v.at[b], sem),
            ]

        def _issue(g, b, sem):
            for cp in _copies(g, b, sem):
                cp.start()

        def _wait(g, b, sem):
            for cp in _copies(g, b, sem):
                cp.wait()

        _issue(0, 0, sem0)

        def _zero(i, _):
            for c in range(cpw):
                sum_acc[pl.ds(c * acc_words + i * _LANES, _LANES)] = zeros
                sq_acc[pl.ds(c * acc_words + i * _LANES, _LANES)] = zeros
            cnt_acc[pl.ds(i * _LANES, _LANES)] = zeros
            return 0
        lax.fori_loop(0, acc_words // _LANES, _zero, 0)

        unroll = 4

        def _compute(b):
            def _row(rr, _):
                def _blk(jb, _):
                    idxs = []
                    vals = []
                    for u in range(unroll):
                        col = (jb * unroll + u) * _LANES
                        seg = seg_v[b, rr, pl.ds(col, _LANES)]
                        idxs.append(seg * _LANES + lane)
                        vals.append([x_v[b, c, rr, pl.ds(col, _LANES)]
                                     for c in range(cpw)])
                    for u in range(unroll):
                        idx = idxs[u]
                        for c in range(cpw):
                            xv = vals[u][c]
                            idx_c = idx + (c * acc_words)
                            plsc.addupdate_scatter(sum_acc, [idx_c], xv)
                            plsc.addupdate_scatter(sq_acc, [idx_c], xv * xv)

                    @pl.when(w == 0)
                    def _():
                        for u in range(unroll):
                            plsc.addupdate_scatter(cnt_acc, [idxs[u]], ones)
                    return 0
                lax.fori_loop(0, W // (unroll * _LANES), _blk, 0)
                return 0
            lax.fori_loop(0, rows, _row, 0)

        def _pair(gg, _):
            g0 = gg * 2
            _issue(g0 + 1, 1, sem1)
            _wait(g0, 0, sem0)
            _compute(0)

            @pl.when(g0 + 2 < nchunk)
            def _():
                _issue(g0 + 2, 0, sem0)
            _wait(g0 + 1, 1, sem1)
            _compute(1)
            return 0
        lax.fori_loop(0, nchunk // 2, _pair, 0)

        pltpu.sync_copy(sum_acc,
                        sums_hbm.at[pl.ds(c0 * acc_words, cpw * acc_words)])
        pltpu.sync_copy(sq_acc,
                        sq_hbm.at[pl.ds(c0 * acc_words, cpw * acc_words)])

        @pl.when(w == 0)
        def _():
            pltpu.sync_copy(cnt_acc, cnt_hbm)

    return sc_call


def _epilogue_body(cnt_ref, sums_ref, sq_ref, out_ref):
    C = sums_ref.shape[0] // _LANES
    i = lax.broadcasted_iota(jnp.int32, (_W, 32), 0)
    j = lax.broadcasted_iota(jnp.int32, (_W, 32), 1)
    fold = (i // _LANES == j).astype(jnp.float32)
    cnt = jnp.dot(cnt_ref[...], fold,
                  preferred_element_type=jnp.float32)
    s = jnp.dot(sums_ref[...], fold,
                preferred_element_type=jnp.float32)
    q = jnp.dot(sq_ref[...], fold,
                preferred_element_type=jnp.float32)
    safe = jnp.maximum(cnt, 1.0)
    s3 = s.reshape(C, _LANES, 32)
    q3 = q.reshape(C, _LANES, 32)
    means = s3 / safe[None]
    var_sum = jnp.sum(q3 - safe[None] * means * means, axis=0)
    per_seg = var_sum / (C * safe)
    var_loss = jnp.sum(jnp.where(cnt >= 2.0, per_seg,
                                 jnp.zeros_like(per_seg)))
    c = jnp.sum((cnt > 0.0).astype(jnp.float32))
    out_ref[0, 0] = var_loss / c


def _epilogue(counts, sums, sq):
    return pl.pallas_call(
        _epilogue_body,
        out_shape=jax.ShapeDtypeStruct((1, 1), jnp.float32),
        out_specs=pl.BlockSpec(memory_space=pltpu.SMEM),
    )(counts, sums, sq)


_SC_CALL = _make_sc_call(_C, _H, _W, _K, _ROWS)


def kernel(superpixels_results, feats):
    sums, sq, cnt = _SC_CALL(feats, superpixels_results)
    loss = _epilogue(cnt.reshape(_LANES, _W),
                     sums.reshape(_C * _LANES, _W),
                     sq.reshape(_C * _LANES, _W))
    return loss[0, 0]

# --- scband reference (transcript-rebuilt; emitter-appended) ---
"""Pipeline reference for scband-spatial-loss-27453430956391 (READ-ONLY COPY).

The authoritative reference and input builder live on the scoring server;
editing this copy changes nothing except your own understanding.
"""

import jax, jax.numpy as jnp
import numpy as np

K = 512  # number of superpixel ids (fill_max)

def setup_inputs(seed: int = 0) -> dict:
    key = jax.random.key(seed)
    k1, k2 = jax.random.split(key)
    superpixels_results = jax.random.randint(k1, (2, 512, 512), 0, K, dtype=jnp.int32)
    feats = jax.random.normal(k2, (2, 96, 512, 512), dtype=jnp.float32)
    return {"superpixels_results": superpixels_results, "feats": feats}

def reference(superpixels_results, feats):
    # Faithful to the original forward: due to the early `return` inside the
    # batch loop, ONLY batch 0 is processed. c counts ALL unique superpixel
    # ids in batch 0 (including ids with <2 pixels, which contribute 0 loss).
    seg = superpixels_results[0].reshape(-1)                      # [N] int
    C = feats.shape[1]
    x = feats[0].reshape(C, -1)                                    # [C, N]
    counts = jnp.bincount(seg, length=K).astype(feats.dtype)       # [K]
    sums = jax.ops.segment_sum(x.T, seg, num_segments=K)           # [K, C]
    sumsq = jax.ops.segment_sum((x * x).T, seg, num_segments=K)    # [K, C]
    safe_counts = jnp.maximum(counts, 1.0)
    means = sums / safe_counts[:, None]                            # per-segment per-channel mean
    # sum over channels and pixels of (x - mean)^2 = sumsq - n*mean^2
    var_sum = jnp.sum(sumsq - safe_counts[:, None] * means * means, axis=1)  # [K]
    per_seg = var_sum / (C * safe_counts)                          # var_loss_t.mean() per segment
    valid = counts >= 2.0                                          # segments with np.sum(mask) >= 2
    var_loss = jnp.sum(jnp.where(valid, per_seg, jnp.zeros_like(per_seg)))
    c = jnp.sum(counts > 0).astype(feats.dtype)                    # number of unique ids in batch 0
    return var_loss / c

if __name__ == "__main__":
    import jax
    _d = setup_inputs()
    print(jax.jit(kernel)(*tuple(_d.values())))

</pallas_src>

<mosaic_0001>
#map = affine_map<(d0, d1) -> (0, 0, 0, 0)>
#map1 = affine_map<(d0, d1) -> (0, 0, 0)>
#map2 = affine_map<(d0, d1) -> (0)>
module attributes {stable_mosaic.version = 14 : i64} {
  func.func @sc_call(%arg0: i32, %arg1: i32, %arg2: memref<2x96x512x512xf32, #tpu.memory_space<hbm>>, %arg3: memref<2x512x512xi32, #tpu.memory_space<hbm>>, %arg4: memref<786432xf32, #tpu.memory_space<hbm>>, %arg5: memref<786432xf32, #tpu.memory_space<hbm>>, %arg6: memref<8192xf32, #tpu.memory_space<hbm>>, %arg7: memref<2x16x512xi32, #tpu.memory_space<vmem>>, %arg8: memref<2x3x16x512xf32, #tpu.memory_space<vmem>>, %arg9: memref<24576xf32, #tpu.memory_space<vmem>>, %arg10: memref<24576xf32, #tpu.memory_space<vmem>>, %arg11: memref<8192xf32, #tpu.memory_space<vmem>>, %arg12: memref<!tpu.dma_semaphore, #tpu.memory_space<semaphore_mem>>, %arg13: memref<!tpu.dma_semaphore, #tpu.memory_space<semaphore_mem>>) attributes {dimension_semantics = [#tpu.dimension_semantics<core_parallel>, #tpu.dimension_semantics<subcore_parallel>], iteration_bounds = array<i64: 2, 16>, scalar_prefetch = 0 : i64, scratch_operands = 7 : i64, tpu.core_type = #tpu.core_type<sc_vector_subcore>, window_params = [{transform_indices = #map}, {transform_indices = #map1}, {transform_indices = #map2}, {transform_indices = #map2}, {transform_indices = #map2}]} {
    %mul3A = arith.constant 16 : i32
    %mul3A_0 = arith.muli %arg0, %mul3A : i32
    %add3A = arith.addi %mul3A_0, %arg1 : i32
    %mul3A_1 = arith.constant 3 : i32
    %mul3A_2 = arith.muli %add3A, %mul3A_1 : i32
    %broadcast_in_dim3A = arith.constant 0.000000e+00 : f32
    %broadcast_in_dim3A_3 = vector.broadcast %broadcast_in_dim3A : f32 to vector<16xf32>
    %broadcast_in_dim3A_4 = arith.constant 1.000000e+00 : f32
    %broadcast_in_dim3A_5 = vector.broadcast %broadcast_in_dim3A_4 : f32 to vector<16xf32>
    %iota3A = tpu.iota {dimensions = array<i32: 0>} : vector<16xi32>
    %dma_start3A = arith.constant 0 : i32
    %dma_start3A_6 = arith.constant 0 : i32
    %dma_start3A_7 = arith.constant 0 : i32
    %dma_start3A_8 = arith.constant 0 : i32
    %dma_start3A_9 = tpu.memref_slice %arg7[%dma_start3A_6, %dma_start3A_7, %dma_start3A_8] : memref<2x16x512xi32, #tpu.memory_space<vmem>> -> memref<1x16x512xi32, #tpu.memory_space<vmem>>
    %dma_start3A_10 = tpu.memref_squeeze %dma_start3A_9 : memref<1x16x512xi32, #tpu.memory_space<vmem>> -> memref<16x512xi32, #tpu.memory_space<vmem>>
    %dma_start3A_11 = arith.constant 0 : i32
    %dma_start3A_12 = arith.constant 0 : i32
    %dma_start3A_13 = tpu.memref_slice %arg3[%dma_start3A, %dma_start3A_11, %dma_start3A_12] : memref<2x512x512xi32, #tpu.memory_space<hbm>> -> memref<1x16x512xi32, #tpu.memory_space<hbm>>
    %dma_start3A_14 = tpu.memref_squeeze %dma_start3A_13 : memref<1x16x512xi32, #tpu.memory_space<hbm>> -> memref<16x512xi32, #tpu.memory_space<hbm>>
    %dma_start3A_15 = arith.constant 0 : i32
    %dma_start3A_16 = arith.constant 0 : i32
    %dma_start3A_17 = tpu.memref_slice %arg7[%dma_start3A_6, %dma_start3A_15, %dma_start3A_16] : memref<2x16x512xi32, #tpu.memory_space<vmem>> -> memref<1x16x512xi32, #tpu.memory_space<vmem>>
    %dma_start3A_18 = tpu.memref_squeeze %dma_start3A_17 : memref<1x16x512xi32, #tpu.memory_space<vmem>> -> memref<16x512xi32, #tpu.memory_space<vmem>>
    %dma_start3A_19 = arith.constant 0 : i32
    %dma_start3A_20 = arith.constant 0 : i32
    %dma_start3A_21 = tpu.memref_slice %arg3[%dma_start3A, %dma_start3A_19, %dma_start3A_20] : memref<2x512x512xi32, #tpu.memory_space<hbm>> -> memref<1x16x512xi32, #tpu.memory_space<hbm>>
    %dma_start3A_22 = tpu.memref_squeeze %dma_start3A_21 : memref<1x16x512xi32, #tpu.memory_space<hbm>> -> memref<16x512xi32, #tpu.memory_space<hbm>>
    tpu.enqueue_dma source(%dma_start3A_22 : memref<16x512xi32, #tpu.memory_space<hbm>>) target(%dma_start3A_18 : memref<16x512xi32, #tpu.memory_space<vmem>>) target_semaphore(%arg12 : memref<!tpu.dma_semaphore, #tpu.memory_space<semaphore_mem>>)
    %dma_start3A_23 = arith.constant 0 : i32
    %dma_start3A_24 = arith.constant 0 : i32
    %dma_start3A_25 = arith.constant 0 : i32
    %dma_start3A_26 = arith.constant 0 : i32
    %dma_start3A_27 = arith.constant 0 : i32
    %dma_start3A_28 = tpu.memref_slice %arg8[%dma_start3A_24, %dma_start3A_25, %dma_start3A_26, %dma_start3A_27] : memref<2x3x16x512xf32, #tpu.memory_space<vmem>> -> memref<1x3x16x512xf32, #tpu.memory_space<vmem>>
    %dma_start3A_29 = tpu.memref_squeeze %dma_start3A_28 : memref<1x3x16x512xf32, #tpu.memory_space<vmem>> -> memref<3x16x512xf32, #tpu.memory_space<vmem>>
    %dma_start3A_30 = arith.constant 0 : i32
    %dma_start3A_31 = arith.constant 0 : i32
    %dma_start3A_32 = tpu.memref_slice %arg2[%dma_start3A_23, %mul3A_2, %dma_start3A_30, %dma_start3A_31] : memref<2x96x512x512xf32, #tpu.memory_space<hbm>> -> memref<1x3x16x512xf32, #tpu.memory_space<hbm>>
    %dma_start3A_33 = tpu.memref_squeeze %dma_start3A_32 : memref<1x3x16x512xf32, #tpu.memory_space<hbm>> -> memref<3x16x512xf32, #tpu.memory_space<hbm>>
    %dma_start3A_34 = arith.constant 0 : i32
    %dma_start3A_35 = arith.constant 0 : i32
    %dma_start3A_36 = arith.constant 0 : i32
    %dma_start3A_37 = tpu.memref_slice %arg8[%dma_start3A_24, %dma_start3A_34, %dma_start3A_35, %dma_start3A_36] : memref<2x3x16x512xf32, #tpu.memory_space<vmem>> -> memref<1x3x16x512xf32, #tpu.memory_space<vmem>>
    %dma_start3A_38 = tpu.memref_squeeze %dma_start3A_37 : memref<1x3x16x512xf32, #tpu.memory_space<vmem>> -> memref<3x16x512xf32, #tpu.memory_space<vmem>>
    %dma_start3A_39 = arith.constant 0 : i32
    %dma_start3A_40 = arith.constant 0 : i32
    %dma_start3A_41 = tpu.memref_slice %arg2[%dma_start3A_23, %mul3A_2, %dma_start3A_39, %dma_start3A_40] : memref<2x96x512x512xf32, #tpu.memory_space<hbm>> -> memref<1x3x16x512xf32, #tpu.memory_space<hbm>>
    %dma_start3A_42 = tpu.memref_squeeze %dma_start3A_41 : memref<1x3x16x512xf32, #tpu.memory_space<hbm>> -> memref<3x16x512xf32, #tpu.memory_space<hbm>>
    tpu.enqueue_dma source(%dma_start3A_42 : memref<3x16x512xf32, #tpu.memory_space<hbm>>) target(%dma_start3A_38 : memref<3x16x512xf32, #tpu.memory_space<vmem>>) target_semaphore(%arg12 : memref<!tpu.dma_semaphore, #tpu.memory_space<semaphore_mem>>)
    %scan3A = arith.constant 0 : i32
    %scan3A_43 = arith.constant 0 : i32
    %scan3A_44 = arith.constant 512 : i32
    %scan3A_45 = arith.addi %scan3A_43, %scan3A_44 : i32
    %scan3A_46 = arith.constant 1 : i32
    %scan3A_47 = scf.for %scan3A_62 = %scan3A_43 to %scan3A_45 step %scan3A_46 iter_args(%scan3A_63 = %scan3A) -> (i32)  : i32 {
      %mul3A_64 = arith.constant 16 : i32
      %mul3A_65 = arith.muli %scan3A_62, %mul3A_64 : i32
      %add3A_66 = arith.constant 0 : i32
      %add3A_67 = arith.addi %add3A_66, %mul3A_65 : i32
      %swap3A = arith.index_cast %add3A_67 : i32 to index
      %swap3A_68 = tpu.vector_load %arg9[%swap3A] {strides = array<i32>} : memref<24576xf32, #tpu.memory_space<vmem>>, vector<16xf32>,
      tpu.vector_store %arg9[%swap3A], %broadcast_in_dim3A_3 {strides = array<i32>} : memref<24576xf32, #tpu.memory_space<vmem>>, vector<16xf32>,
      %mul3A_69 = arith.constant 16 : i32
      %mul3A_70 = arith.muli %scan3A_62, %mul3A_69 : i32
      %add3A_71 = arith.constant 0 : i32
      %add3A_72 = arith.addi %add3A_71, %mul3A_70 : i32
      %swap3A_73 = arith.index_cast %add3A_72 : i32 to index
      %swap3A_74 = tpu.vector_load %arg10[%swap3A_73] {strides = array<i32>} : memref<24576xf32, #tpu.memory_space<vmem>>, vector<16xf32>,
      tpu.vector_store %arg10[%swap3A_73], %broadcast_in_dim3A_3 {strides = array<i32>} : memref<24576xf32, #tpu.memory_space<vmem>>, vector<16xf32>,
      %mul3A_75 = arith.constant 16 : i32
      %mul3A_76 = arith.muli %scan3A_62, %mul3A_75 : i32
      %add3A_77 = arith.constant 8192 : i32
      %add3A_78 = arith.addi %add3A_77, %mul3A_76 : i32
      %swap3A_79 = arith.index_cast %add3A_78 : i32 to index
      %swap3A_80 = tpu.vector_load %arg9[%swap3A_79] {strides = array<i32>} : memref<24576xf32, #tpu.memory_space<vmem>>, vector<16xf32>,
      tpu.vector_store %arg9[%swap3A_79], %broadcast_in_dim3A_3 {strides = array<i32>} : memref<24576xf32, #tpu.memory_space<vmem>>, vector<16xf32>,
      %mul3A_81 = arith.constant 16 : i32
      %mul3A_82 = arith.muli %scan3A_62, %mul3A_81 : i32
      %add3A_83 = arith.constant 8192 : i32
      %add3A_84 = arith.addi %add3A_83, %mul3A_82 : i32
      %swap3A_85 = arith.index_cast %add3A_84 : i32 to index
      %swap3A_86 = tpu.vector_load %arg10[%swap3A_85] {strides = array<i32>} : memref<24576xf32, #tpu.memory_space<vmem>>, vector<16xf32>,
      tpu.vector_store %arg10[%swap3A_85], %broadcast_in_dim3A_3 {strides = array<i32>} : memref<24576xf32, #tpu.memory_space<vmem>>, vector<16xf32>,
      %mul3A_87 = arith.constant 16 : i32
      %mul3A_88 = arith.muli %scan3A_62, %mul3A_87 : i32
      %add3A_89 = arith.constant 16384 : i32
      %add3A_90 = arith.addi %add3A_89, %mul3A_88 : i32
      %swap3A_91 = arith.index_cast %add3A_90 : i32 to index
      %swap3A_92 = tpu.vector_load %arg9[%swap3A_91] {strides = array<i32>} : memref<24576xf32, #tpu.memory_space<vmem>>, vector<16xf32>,
      tpu.vector_store %arg9[%swap3A_91], %broadcast_in_dim3A_3 {strides = array<i32>} : memref<24576xf32, #tpu.memory_space<vmem>>, vector<16xf32>,
      %mul3A_93 = arith.constant 16 : i32
      %mul3A_94 = arith.muli %scan3A_62, %mul3A_93 : i32
      %add3A_95 = arith.constant 16384 : i32
      %add3A_96 = arith.addi %add3A_95, %mul3A_94 : i32
      %swap3A_97 = arith.index_cast %add3A_96 : i32 to index
      %swap3A_98 = tpu.vector_load %arg10[%swap3A_97] {strides = array<i32>} : memref<24576xf32, #tpu.memory_space<vmem>>, vector<16xf32>,
      tpu.vector_store %arg10[%swap3A_97], %broadcast_in_dim3A_3 {strides = array<i32>} : memref<24576xf32, #tpu.memory_space<vmem>>, vector<16xf32>,
      %mul3A_99 = arith.constant 16 : i32
      %mul3A_100 = arith.muli %scan3A_62, %mul3A_99 : i32
      %swap3A_101 = arith.index_cast %mul3A_100 : i32 to index
      %swap3A_102 = tpu.vector_load %arg11[%swap3A_101] {strides = array<i32>} : memref<8192xf32, #tpu.memory_space<vmem>>, vector<16xf32>,
      tpu.vector_store %arg11[%swap3A_101], %broadcast_in_dim3A_3 {strides = array<i32>} : memref<8192xf32, #tpu.memory_space<vmem>>, vector<16xf32>,
      %scan3A_103 = arith.constant 0 : i32
      scf.yield %scan3A_103 : i32
    }
    %scan3A_48 = arith.constant 512 : i32
    %scan3A_49 = arith.constant 0 : i32
    %scan3A_50 = arith.constant 0 : i32
    %scan3A_51 = arith.constant 16 : i32
    %scan3A_52 = arith.addi %scan3A_50, %scan3A_51 : i32
    %scan3A_53 = arith.constant 1 : i32
    %scan3A_54 = scf.for %scan3A_62 = %scan3A_50 to %scan3A_52 step %scan3A_53 iter_args(%scan3A_63 = %scan3A_49) -> (i32)  : i32 {
      %mul3A_64 = arith.constant 2 : i32
      %mul3A_65 = arith.muli %scan3A_62, %mul3A_64 : i32
      %add3A_66 = arith.constant 1 : i32
      %add3A_67 = arith.addi %mul3A_65, %add3A_66 : i32
      %mul3A_68 = arith.constant 16 : i32
      %mul3A_69 = arith.muli %add3A_67, %mul3A_68 : i32
      %dma_start3A_70 = arith.constant 0 : i32
      %dma_start3A_71 = arith.constant 1 : i32
      %dma_start3A_72 = arith.constant 0 : i32
      %dma_start3A_73 = arith.constant 0 : i32
      %dma_start3A_74 = tpu.memref_slice %arg7[%dma_start3A_71, %dma_start3A_72, %dma_start3A_73] : memref<2x16x512xi32, #tpu.memory_space<vmem>> -> memref<1x16x512xi32, #tpu.memory_space<vmem>>
      %dma_start3A_75 = tpu.memref_squeeze %dma_start3A_74 : memref<1x16x512xi32, #tpu.memory_space<vmem>> -> memref<16x512xi32, #tpu.memory_space<vmem>>
      %dma_start3A_76 = arith.constant 0 : i32
      %dma_start3A_77 = tpu.memref_slice %arg3[%dma_start3A_70, %mul3A_69, %dma_start3A_76] : memref<2x512x512xi32, #tpu.memory_space<hbm>> -> memref<1x16x512xi32, #tpu.memory_space<hbm>>
      %dma_start3A_78 = tpu.memref_squeeze %dma_start3A_77 : memref<1x16x512xi32, #tpu.memory_space<hbm>> -> memref<16x512xi32, #tpu.memory_space<hbm>>
      %dma_start3A_79 = arith.constant 0 : i32
      %dma_start3A_80 = arith.constant 0 : i32
      %dma_start3A_81 = tpu.memref_slice %arg7[%dma_start3A_71, %dma_start3A_79, %dma_start3A_80] : memref<2x16x512xi32, #tpu.memory_space<vmem>> -> memref<1x16x512xi32, #tpu.memory_space<vmem>>
      %dma_start3A_82 = tpu.memref_squeeze %dma_start3A_81 : memref<1x16x512xi32, #tpu.memory_space<vmem>> -> memref<16x512xi32, #tpu.memory_space<vmem>>
      %dma_start3A_83 = arith.constant 0 : i32
      %dma_start3A_84 = tpu.memref_slice %arg3[%dma_start3A_70, %mul3A_69, %dma_start3A_83] : memref<2x512x512xi32, #tpu.memory_space<hbm>> -> memref<1x16x512xi32, #tpu.memory_space<hbm>>
      %dma_start3A_85 = tpu.memref_squeeze %dma_start3A_84 : memref<1x16x512xi32, #tpu.memory_space<hbm>> -> memref<16x512xi32, #tpu.memory_space<hbm>>
      tpu.enqueue_dma source(%dma_start3A_85 : memref<16x512xi32, #tpu.memory_space<hbm>>) target(%dma_start3A_82 : memref<16x512xi32, #tpu.memory_space<vmem>>) target_semaphore(%arg13 : memref<!tpu.dma_semaphore, #tpu.memory_space<semaphore_mem>>)
      %dma_start3A_86 = arith.constant 0 : i32
      %dma_start3A_87 = arith.constant 1 : i32
      %dma_start3A_88 = arith.constant 0 : i32
      %dma_start3A_89 = arith.constant 0 : i32
      %dma_start3A_90 = arith.constant 0 : i32
      %dma_start3A_91 = tpu.memref_slice %arg8[%dma_start3A_87, %dma_start3A_88, %dma_start3A_89, %dma_start3A_90] : memref<2x3x16x512xf32, #tpu.memory_space<vmem>> -> memref<1x3x16x512xf32, #tpu.memory_space<vmem>>
      %dma_start3A_92 = tpu.memref_squeeze %dma_start3A_91 : memref<1x3x16x512xf32, #tpu.memory_space<vmem>> -> memref<3x16x512xf32, #tpu.memory_space<vmem>>
      %dma_start3A_93 = arith.constant 0 : i32
      %dma_start3A_94 = tpu.memref_slice %arg2[%dma_start3A_86, %mul3A_2, %mul3A_69, %dma_start3A_93] : memref<2x96x512x512xf32, #tpu.memory_space<hbm>> -> memref<1x3x16x512xf32, #tpu.memory_space<hbm>>
      %dma_start3A_95 = tpu.memref_squeeze %dma_start3A_94 : memref<1x3x16x512xf32, #tpu.memory_space<hbm>> -> memref<3x16x512xf32, #tpu.memory_space<hbm>>
      %dma_start3A_96 = arith.constant 0 : i32
      %dma_start3A_97 = arith.constant 0 : i32
      %dma_start3A_98 = arith.constant 0 : i32
      %dma_start3A_99 = tpu.memref_slice %arg8[%dma_start3A_87, %dma_start3A_96, %dma_start3A_97, %dma_start3A_98] : memref<2x3x16x512xf32, #tpu.memory_space<vmem>> -> memref<1x3x16x512xf32, #tpu.memory_space<vmem>>
      %dma_start3A_100 = tpu.memref_squeeze %dma_start3A_99 : memref<1x3x16x512xf32, #tpu.memory_space<vmem>> -> memref<3x16x512xf32, #tpu.memory_space<vmem>>
      %dma_start3A_101 = arith.constant 0 : i32
      %dma_start3A_102 = tpu.memref_slice %arg2[%dma_start3A_86, %mul3A_2, %mul3A_69, %dma_start3A_101] : memref<2x96x512x512xf32, #tpu.memory_space<hbm>> -> memref<1x3x16x512xf32, #tpu.memory_space<hbm>>
      %dma_start3A_103 = tpu.memref_squeeze %dma_start3A_102 : memref<1x3x16x512xf32, #tpu.memory_space<hbm>> -> memref<3x16x512xf32, #tpu.memory_space<hbm>>
      tpu.enqueue_dma source(%dma_start3A_103 : memref<3x16x512xf32, #tpu.memory_space<hbm>>) target(%dma_start3A_100 : memref<3x16x512xf32, #tpu.memory_space<vmem>>) target_semaphore(%arg13 : memref<!tpu.dma_semaphore, #tpu.memory_space<semaphore_mem>>)
      %mul3A_104 = arith.constant 16 : i32
      %mul3A_105 = arith.muli %mul3A_65, %mul3A_104 : i32
      %dma_wait3A = arith.constant 0 : i32
      %dma_wait3A_106 = arith.constant 0 : i32
      %dma_wait3A_107 = arith.constant 0 : i32
      %dma_wait3A_108 = arith.constant 0 : i32
      %dma_wait3A_109 = tpu.memref_slice %arg7[%dma_wait3A_106, %dma_wait3A_107, %dma_wait3A_108] : memref<2x16x512xi32, #tpu.memory_space<vmem>> -> memref<1x16x512xi32, #tpu.memory_space<vmem>>
      %dma_wait3A_110 = tpu.memref_squeeze %dma_wait3A_109 : memref<1x16x512xi32, #tpu.memory_space<vmem>> -> memref<16x512xi32, #tpu.memory_space<vmem>>
      %dma_wait3A_111 = arith.constant 0 : i32
      %dma_wait3A_112 = tpu.memref_slice %arg3[%dma_wait3A, %mul3A_105, %dma_wait3A_111] : memref<2x512x512xi32, #tpu.memory_space<hbm>> -> memref<1x16x512xi32, #tpu.memory_space<hbm>>
      %dma_wait3A_113 = tpu.memref_squeeze %dma_wait3A_112 : memref<1x16x512xi32, #tpu.memory_space<hbm>> -> memref<16x512xi32, #tpu.memory_space<hbm>>
      %dma_wait3A_114 = arith.constant 0 : i32
      %dma_wait3A_115 = arith.constant 0 : i32
      %dma_wait3A_116 = tpu.memref_slice %arg7[%dma_wait3A_106, %dma_wait3A_114, %dma_wait3A_115] : memref<2x16x512xi32, #tpu.memory_space<vmem>> -> memref<1x16x512xi32, #tpu.memory_space<vmem>>
      %dma_wait3A_117 = tpu.memref_squeeze %dma_wait3A_116 : memref<1x16x512xi32, #tpu.memory_space<vmem>> -> memref<16x512xi32, #tpu.memory_space<vmem>>
      %dma_wait3A_118 = arith.constant 0 : i32
      %dma_wait3A_119 = tpu.memref_slice %arg3[%dma_wait3A, %mul3A_105, %dma_wait3A_118] : memref<2x512x512xi32, #tpu.memory_space<hbm>> -> memref<1x16x512xi32, #tpu.memory_space<hbm>>
      %dma_wait3A_120 = tpu.memref_squeeze %dma_wait3A_119 : memref<1x16x512xi32, #tpu.memory_space<hbm>> -> memref<16x512xi32, #tpu.memory_space<hbm>>
      tpu.wait_dma2 semaphore(%arg12 : memref<!tpu.dma_semaphore, #tpu.memory_space<semaphore_mem>>) src(%dma_wait3A_120 : memref<16x512xi32, #tpu.memory_space<hbm>>) dst(%dma_wait3A_117 : memref<16x512xi32, #tpu.memory_space<vmem>>)
      %dma_wait3A_121 = arith.constant 0 : i32
      %dma_wait3A_122 = arith.constant 0 : i32
      %dma_wait3A_123 = arith.constant 0 : i32
      %dma_wait3A_124 = arith.constant 0 : i32
      %dma_wait3A_125 = arith.constant 0 : i32
      %dma_wait3A_126 = tpu.memref_slice %arg8[%dma_wait3A_122, %dma_wait3A_123, %dma_wait3A_124, %dma_wait3A_125] : memref<2x3x16x512xf32, #tpu.memory_space<vmem>> -> memref<1x3x16x512xf32, #tpu.memory_space<vmem>>
      %dma_wait3A_127 = tpu.memref_squeeze %dma_wait3A_126 : memref<1x3x16x512xf32, #tpu.memory_space<vmem>> -> memref<3x16x512xf32, #tpu.memory_space<vmem>>
      %dma_wait3A_128 = arith.constant 0 : i32
      %dma_wait3A_129 = tpu.memref_slice %arg2[%dma_wait3A_121, %mul3A_2, %mul3A_105, %dma_wait3A_128] : memref<2x96x512x512xf32, #tpu.memory_space<hbm>> -> memref<1x3x16x512xf32, #tpu.memory_space<hbm>>
      %dma_wait3A_130 = tpu.memref_squeeze %dma_wait3A_129 : memref<1x3x16x512xf32, #tpu.memory_space<hbm>> -> memref<3x16x512xf32, #tpu.memory_space<hbm>>
      %dma_wait3A_131 = arith.constant 0 : i32
      %dma_wait3A_132 = arith.constant 0 : i32
      %dma_wait3A_133 = arith.constant 0 : i32
      %dma_wait3A_134 = tpu.memref_slice %arg8[%dma_wait3A_122, %dma_wait3A_131, %dma_wait3A_132, %dma_wait3A_133] : memref<2x3x16x512xf32, #tpu.memory_space<vmem>> -> memref<1x3x16x512xf32, #tpu.memory_space<vmem>>
      %dma_wait3A_135 = tpu.memref_squeeze %dma_wait3A_134 : memref<1x3x16x512xf32, #tpu.memory_space<vmem>> -> memref<3x16x512xf32, #tpu.memory_space<vmem>>
      %dma_wait3A_136 = arith.constant 0 : i32
      %dma_wait3A_137 = tpu.memref_slice %arg2[%dma_wait3A_121, %mul3A_2, %mul3A_105, %dma_wait3A_136] : memref<2x96x512x512xf32, #tpu.memory_space<hbm>> -> memref<1x3x16x512xf32, #tpu.memory_space<hbm>>
      %dma_wait3A_138 = tpu.memref_squeeze %dma_wait3A_137 : memref<1x3x16x512xf32, #tpu.memory_space<hbm>> -> memref<3x16x512xf32, #tpu.memory_space<hbm>>
      tpu.wait_dma2 semaphore(%arg12 : memref<!tpu.dma_semaphore, #tpu.memory_space<semaphore_mem>>) src(%dma_wait3A_138 : memref<3x16x512xf32, #tpu.memory_space<hbm>>) dst(%dma_wait3A_135 : memref<3x16x512xf32, #tpu.memory_space<vmem>>)
      %scan3A_139 = arith.constant 0 : i32
      %scan3A_140 = arith.constant 0 : i32
      %scan3A_141 = arith.constant 16 : i32
      %scan3A_142 = arith.addi %scan3A_140, %scan3A_141 : i32
      %scan3A_143 = arith.constant 1 : i32
      %scan3A_144 = scf.for %scan3A_198 = %scan3A_140 to %scan3A_142 step %scan3A_143 iter_args(%scan3A_199 = %scan3A_139) -> (i32)  : i32 {
        %scan3A_200 = arith.constant 0 : i32
        %scan3A_201 = arith.constant 0 : i32
        %scan3A_202 = arith.constant 8 : i32
        %scan3A_203 = arith.addi %scan3A_201, %scan3A_202 : i32
        %scan3A_204 = arith.constant 1 : i32
        %scan3A_205 = scf.for %scan3A_208 = %scan3A_201 to %scan3A_203 step %scan3A_204 iter_args(%scan3A_209 = %scan3A_200) -> (i32)  : i32 {
          %mul3A_210 = arith.constant 4 : i32
          %mul3A_211 = arith.muli %scan3A_208, %mul3A_210 : i32
          %add3A_212 = arith.constant 0 : i32
          %add3A_213 = arith.addi %mul3A_211, %add3A_212 : i32
          %mul3A_214 = arith.constant 16 : i32
          %mul3A_215 = arith.muli %add3A_213, %mul3A_214 : i32
          %get3A = arith.constant 0 : i32
          %get3A_216 = arith.index_cast %get3A : i32 to index
          %get3A_217 = arith.index_cast %scan3A_198 : i32 to index
          %get3A_218 = arith.index_cast %mul3A_215 : i32 to index
          %get3A_219 = tpu.vector_load %arg7[%get3A_216, %get3A_217, %get3A_218] {strides = array<i32>} : memref<2x16x512xi32, #tpu.memory_space<vmem>>, vector<16xi32>,
          %mul3A_220 = arith.constant 16 : i32
          %mul3A_221 = vector.broadcast %mul3A_220 : i32 to vector<16xi32>
          %mul3A_222 = arith.muli %get3A_219, %mul3A_221 : vector<16xi32>
          %add3A_223 = arith.addi %mul3A_222, %iota3A : vector<16xi32>
          %get3A_224 = arith.constant 0 : i32
          %get3A_225 = arith.constant 0 : i32
          %get3A_226 = arith.index_cast %get3A_224 : i32 to index
          %get3A_227 = arith.index_cast %get3A_225 : i32 to index
          %get3A_228 = arith.index_cast %scan3A_198 : i32 to index
          %get3A_229 = arith.index_cast %mul3A_215 : i32 to index
          %get3A_230 = tpu.vector_load %arg8[%get3A_226, %get3A_227, %get3A_228, %get3A_229] {strides = array<i32>} : memref<2x3x16x512xf32, #tpu.memory_space<vmem>>, vector<16xf32>,
          %get3A_231 = arith.constant 0 : i32
          %get3A_232 = arith.constant 1 : i32
          %get3A_233 = arith.index_cast %get3A_231 : i32 to index
          %get3A_234 = arith.index_cast %get3A_232 : i32 to index
          %get3A_235 = arith.index_cast %scan3A_198 : i32 to index
          %get3A_236 = arith.index_cast %mul3A_215 : i32 to index
          %get3A_237 = tpu.vector_load %arg8[%get3A_233, %get3A_234, %get3A_235, %get3A_236] {strides = array<i32>} : memref<2x3x16x512xf32, #tpu.memory_space<vmem>>, vector<16xf32>,
          %get3A_238 = arith.constant 0 : i32
          %get3A_239 = arith.constant 2 : i32
          %get3A_240 = arith.index_cast %get3A_238 : i32 to index
          %get3A_241 = arith.index_cast %get3A_239 : i32 to index
          %get3A_242 = arith.index_cast %scan3A_198 : i32 to index
          %get3A_243 = arith.index_cast %mul3A_215 : i32 to index
          %get3A_244 = tpu.vector_load %arg8[%get3A_240, %get3A_241, %get3A_242, %get3A_243] {strides = array<i32>} : memref<2x3x16x512xf32, #tpu.memory_space<vmem>>, vector<16xf32>,
          %mul3A_245 = arith.constant 4 : i32
          %mul3A_246 = arith.muli %scan3A_208, %mul3A_245 : i32
          %add3A_247 = arith.constant 1 : i32
          %add3A_248 = arith.addi %mul3A_246, %add3A_247 : i32
          %mul3A_249 = arith.constant 16 : i32
          %mul3A_250 = arith.muli %add3A_248, %mul3A_249 : i32
          %get3A_251 = arith.constant 0 : i32
          %get3A_252 = arith.index_cast %get3A_251 : i32 to index
          %get3A_253 = arith.index_cast %scan3A_198 : i32 to index
          %get3A_254 = arith.index_cast %mul3A_250 : i32 to index
          %get3A_255 = tpu.vector_load %arg7[%get3A_252, %get3A_253, %get3A_254] {strides = array<i32>} : memref<2x16x512xi32, #tpu.memory_space<vmem>>, vector<16xi32>,
          %mul3A_256 = arith.constant 16 : i32
          %mul3A_257 = vector.broadcast %mul3A_256 : i32 to vector<16xi32>
          %mul3A_258 = arith.muli %get3A_255, %mul3A_257 : vector<16xi32>
          %add3A_259 = arith.addi %mul3A_258, %iota3A : vector<16xi32>
          %get3A_260 = arith.constant 0 : i32
          %get3A_261 = arith.constant 0 : i32
          %get3A_262 = arith.index_cast %get3A_260 : i32 to index
          %get3A_263 = arith.index_cast %get3A_261 : i32 to index
          %get3A_264 = arith.index_cast %scan3A_198 : i32 to index
          %get3A_265 = arith.index_cast %mul3A_250 : i32 to index
          %get3A_266 = tpu.vector_load %arg8[%get3A_262, %get3A_263, %get3A_264, %get3A_265] {strides = array<i32>} : memref<2x3x16x512xf32, #tpu.memory_space<vmem>>, vector<16xf32>,
          %get3A_267 = arith.constant 0 : i32
          %get3A_268 = arith.constant 1 : i32
          %get3A_269 = arith.index_cast %get3A_267 : i32 to index
          %get3A_270 = arith.index_cast %get3A_268 : i32 to index
          %get3A_271 = arith.index_cast %scan3A_198 : i32 to index
          %get3A_272 = arith.index_cast %mul3A_250 : i32 to index
          %get3A_273 = tpu.vector_load %arg8[%get3A_269, %get3A_270, %get3A_271, %get3A_272] {strides = array<i32>} : memref<2x3x16x512xf32, #tpu.memory_space<vmem>>, vector<16xf32>,
          %get3A_274 = arith.constant 0 : i32
          %get3A_275 = arith.constant 2 : i32
          %get3A_276 = arith.index_cast %get3A_274 : i32 to index
          %get3A_277 = arith.index_cast %get3A_275 : i32 to index
          %get3A_278 = arith.index_cast %scan3A_198 : i32 to index
          %get3A_279 = arith.index_cast %mul3A_250 : i32 to index
          %get3A_280 = tpu.vector_load %arg8[%get3A_276, %get3A_277, %get3A_278, %get3A_279] {strides = array<i32>} : memref<2x3x16x512xf32, #tpu.memory_space<vmem>>, vector<16xf32>,
          %mul3A_281 = arith.constant 4 : i32
          %mul3A_282 = arith.muli %scan3A_208, %mul3A_281 : i32
          %add3A_283 = arith.constant 2 : i32
          %add3A_284 = arith.addi %mul3A_282, %add3A_283 : i32
          %mul3A_285 = arith.constant 16 : i32
          %mul3A_286 = arith.muli %add3A_284, %mul3A_285 : i32
          %get3A_287 = arith.constant 0 : i32
          %get3A_288 = arith.index_cast %get3A_287 : i32 to index
          %get3A_289 = arith.index_cast %scan3A_198 : i32 to index
          %get3A_290 = arith.index_cast %mul3A_286 : i32 to index
          %get3A_291 = tpu.vector_load %arg7[%get3A_288, %get3A_289, %get3A_290] {strides = array<i32>} : memref<2x16x512xi32, #tpu.memory_space<vmem>>, vector<16xi32>,
          %mul3A_292 = arith.constant 16 : i32
          %mul3A_293 = vector.broadcast %mul3A_292 : i32 to vector<16xi32>
          %mul3A_294 = arith.muli %get3A_291, %mul3A_293 : vector<16xi32>
          %add3A_295 = arith.addi %mul3A_294, %iota3A : vector<16xi32>
          %get3A_296 = arith.constant 0 : i32
          %get3A_297 = arith.constant 0 : i32
          %get3A_298 = arith.index_cast %get3A_296 : i32 to index
          %get3A_299 = arith.index_cast %get3A_297 : i32 to index
          %get3A_300 = arith.index_cast %scan3A_198 : i32 to index
          %get3A_301 = arith.index_cast %mul3A_286 : i32 to index
          %get3A_302 = tpu.vector_load %arg8[%get3A_298, %get3A_299, %get3A_300, %get3A_301] {strides = array<i32>} : memref<2x3x16x512xf32, #tpu.memory_space<vmem>>, vector<16xf32>,
          %get3A_303 = arith.constant 0 : i32
          %get3A_304 = arith.constant 1 : i32
          %get3A_305 = arith.index_cast %get3A_303 : i32 to index
          %get3A_306 = arith.index_cast %get3A_304 : i32 to index
          %get3A_307 = arith.index_cast %scan3A_198 : i32 to index
          %get3A_308 = arith.index_cast %mul3A_286 : i32 to index
          %get3A_309 = tpu.vector_load %arg8[%get3A_305, %get3A_306, %get3A_307, %get3A_308] {strides = array<i32>} : memref<2x3x16x512xf32, #tpu.memory_space<vmem>>, vector<16xf32>,
          %get3A_310 = arith.constant 0 : i32
          %get3A_311 = arith.constant 2 : i32
          %get3A_312 = arith.index_cast %get3A_310 : i32 to index
          %get3A_313 = arith.index_cast %get3A_311 : i32 to index
          %get3A_314 = arith.index_cast %scan3A_198 : i32 to index
          %get3A_315 = arith.index_cast %mul3A_286 : i32 to index
          %get3A_316 = tpu.vector_load %arg8[%get3A_312, %get3A_313, %get3A_314, %get3A_315] {strides = array<i32>} : memref<2x3x16x512xf32, #tpu.memory_space<vmem>>, vector<16xf32>,
          %mul3A_317 = arith.constant 4 : i32
          %mul3A_318 = arith.muli %scan3A_208, %mul3A_317 : i32
          %add3A_319 = arith.constant 3 : i32
          %add3A_320 = arith.addi %mul3A_318, %add3A_319 : i32
          %mul3A_321 = arith.constant 16 : i32
          %mul3A_322 = arith.muli %add3A_320, %mul3A_321 : i32
          %get3A_323 = arith.constant 0 : i32
          %get3A_324 = arith.index_cast %get3A_323 : i32 to index
          %get3A_325 = arith.index_cast %scan3A_198 : i32 to index
          %get3A_326 = arith.index_cast %mul3A_322 : i32 to index
          %get3A_327 = tpu.vector_load %arg7[%get3A_324, %get3A_325, %get3A_326] {strides = array<i32>} : memref<2x16x512xi32, #tpu.memory_space<vmem>>, vector<16xi32>,
          %mul3A_328 = arith.constant 16 : i32
          %mul3A_329 = vector.broadcast %mul3A_328 : i32 to vector<16xi32>
          %mul3A_330 = arith.muli %get3A_327, %mul3A_329 : vector<16xi32>
          %add3A_331 = arith.addi %mul3A_330, %iota3A : vector<16xi32>
          %get3A_332 = arith.constant 0 : i32
          %get3A_333 = arith.constant 0 : i32
          %get3A_334 = arith.index_cast %get3A_332 : i32 to index
          %get3A_335 = arith.index_cast %get3A_333 : i32 to index
          %get3A_336 = arith.index_cast %scan3A_198 : i32 to index
          %get3A_337 = arith.index_cast %mul3A_322 : i32 to index
          %get3A_338 = tpu.vector_load %arg8[%get3A_334, %get3A_335, %get3A_336, %get3A_337] {strides = array<i32>} : memref<2x3x16x512xf32, #tpu.memory_space<vmem>>, vector<16xf32>,
          %get3A_339 = arith.constant 0 : i32
          %get3A_340 = arith.constant 1 : i32
          %get3A_341 = arith.index_cast %get3A_339 : i32 to index
          %get3A_342 = arith.index_cast %get3A_340 : i32 to index
          %get3A_343 = arith.index_cast %scan3A_198 : i32 to index
          %get3A_344 = arith.index_cast %mul3A_322 : i32 to index
          %get3A_345 = tpu.vector_load %arg8[%get3A_341, %get3A_342, %get3A_343, %get3A_344] {strides = array<i32>} : memref<2x3x16x512xf32, #tpu.memory_space<vmem>>, vector<16xf32>,
          %get3A_346 = arith.constant 0 : i32
          %get3A_347 = arith.constant 2 : i32
          %get3A_348 = arith.index_cast %get3A_346 : i32 to index
          %get3A_349 = arith.index_cast %get3A_347 : i32 to index
          %get3A_350 = arith.index_cast %scan3A_198 : i32 to index
          %get3A_351 = arith.index_cast %mul3A_322 : i32 to index
          %get3A_352 = tpu.vector_load %arg8[%get3A_348, %get3A_349, %get3A_350, %get3A_351] {strides = array<i32>} : memref<2x3x16x512xf32, #tpu.memory_space<vmem>>, vector<16xf32>,
          %add3A_353 = arith.constant 0 : i32
          %add3A_354 = vector.broadcast %add3A_353 : i32 to vector<16xi32>
          %add3A_355 = arith.addi %add3A_223, %add3A_354 : vector<16xi32>
          tpu.vector_store_idx %arg9[%add3A_355], %get3A_230 {add = true} : memref<24576xf32, #tpu.memory_space<vmem>>[vector<16xi32>], vector<16xf32>,
          %mul3A_356 = arith.mulf %get3A_230, %get3A_230 : vector<16xf32>
          tpu.vector_store_idx %arg10[%add3A_355], %mul3A_356 {add = true} : memref<24576xf32, #tpu.memory_space<vmem>>[vector<16xi32>], vector<16xf32>,
          %add3A_357 = arith.constant 8192 : i32
          %add3A_358 = vector.broadcast %add3A_357 : i32 to vector<16xi32>
          %add3A_359 = arith.addi %add3A_223, %add3A_358 : vector<16xi32>
          tpu.vector_store_idx %arg9[%add3A_359], %get3A_237 {add = true} : memref<24576xf32, #tpu.memory_space<vmem>>[vector<16xi32>], vector<16xf32>,
          %mul3A_360 = arith.mulf %get3A_237, %get3A_237 : vector<16xf32>
          tpu.vector_store_idx %arg10[%add3A_359], %mul3A_360 {add = true} : memref<24576xf32, #tpu.memory_space<vmem>>[vector<16xi32>], vector<16xf32>,
          %add3A_361 = arith.constant 16384 : i32
          %add3A_362 = vector.broadcast %add3A_361 : i32 to vector<16xi32>
          %add3A_363 = arith.addi %add3A_223, %add3A_362 : vector<16xi32>
          tpu.vector_store_idx %arg9[%add3A_363], %get3A_244 {add = true} : memref<24576xf32, #tpu.memory_space<vmem>>[vector<16xi32>], vector<16xf32>,
          %mul3A_364 = arith.mulf %get3A_244, %get3A_244 : vector<16xf32>
          tpu.vector_store_idx %arg10[%add3A_363], %mul3A_364 {add = true} : memref<24576xf32, #tpu.memory_space<vmem>>[vector<16xi32>], vector<16xf32>,
          %add3A_365 = arith.constant 0 : i32
          %add3A_366 = vector.broadcast %add3A_365 : i32 to vector<16xi32>
          %add3A_367 = arith.addi %add3A_259, %add3A_366 : vector<16xi32>
          tpu.vector_store_idx %arg9[%add3A_367], %get3A_266 {add = true} : memref<24576xf32, #tpu.memory_space<vmem>>[vector<16xi32>], vector<16xf32>,
          %mul3A_368 = arith.mulf %get3A_266, %get3A_266 : vector<16xf32>
          tpu.vector_store_idx %arg10[%add3A_367], %mul3A_368 {add = true} : memref<24576xf32, #tpu.memory_space<vmem>>[vector<16xi32>], vector<16xf32>,
          %add3A_369 = arith.constant 8192 : i32
          %add3A_370 = vector.broadcast %add3A_369 : i32 to vector<16xi32>
          %add3A_371 = arith.addi %add3A_259, %add3A_370 : vector<16xi32>
          tpu.vector_store_idx %arg9[%add3A_371], %get3A_273 {add = true} : memref<24576xf32, #tpu.memory_space<vmem>>[vector<16xi32>], vector<16xf32>,
          %mul3A_372 = arith.mulf %get3A_273, %get3A_273 : vector<16xf32>
          tpu.vector_store_idx %arg10[%add3A_371], %mul3A_372 {add = true} : memref<24576xf32, #tpu.memory_space<vmem>>[vector<16xi32>], vector<16xf32>,
          %add3A_373 = arith.constant 16384 : i32
          %add3A_374 = vector.broadcast %add3A_373 : i32 to vector<16xi32>
          %add3A_375 = arith.addi %add3A_259, %add3A_374 : vector<16xi32>
          tpu.vector_store_idx %arg9[%add3A_375], %get3A_280 {add = true} : memref<24576xf32, #tpu.memory_space<vmem>>[vector<16xi32>], vector<16xf32>,
          %mul3A_376 = arith.mulf %get3A_280, %get3A_280 : vector<16xf32>
          tpu.vector_store_idx %arg10[%add3A_375], %mul3A_376 {add = true} : memref<24576xf32, #tpu.memory_space<vmem>>[vector<16xi32>], vector<16xf32>,
          %add3A_377 = arith.constant 0 : i32
          %add3A_378 = vector.broadcast %add3A_377 : i32 to vector<16xi32>
          %add3A_379 = arith.addi %add3A_295, %add3A_378 : vector<16xi32>
          tpu.vector_store_idx %arg9[%add3A_379], %get3A_302 {add = true} : memref<24576xf32, #tpu.memory_space<vmem>>[vector<16xi32>], vector<16xf32>,
          %mul3A_380 = arith.mulf %get3A_302, %get3A_302 : vector<16xf32>
          tpu.vector_store_idx %arg10[%add3A_379], %mul3A_380 {add = true} : memref<24576xf32, #tpu.memory_space<vmem>>[vector<16xi32>], vector<16xf32>,
          %add3A_381 = arith.constant 8192 : i32
          %add3A_382 = vector.broadcast %add3A_381 : i32 to vector<16xi32>
          %add3A_383 = arith.addi %add3A_295, %add3A_382 : vector<16xi32>
          tpu.vector_store_idx %arg9[%add3A_383], %get3A_309 {add = true} : memref<24576xf32, #tpu.memory_space<vmem>>[vector<16xi32>], vector<16xf32>,
          %mul3A_384 = arith.mulf %get3A_309, %get3A_309 : vector<16xf32>
          tpu.vector_store_idx %arg10[%add3A_383], %mul3A_384 {add = true} : memref<24576xf32, #tpu.memory_space<vmem>>[vector<16xi32>], vector<16xf32>,
          %add3A_385 = arith.constant 16384 : i32
          %add3A_386 = vector.broadcast %add3A_385 : i32 to vector<16xi32>
          %add3A_387 = arith.addi %add3A_295, %add3A_386 : vector<16xi32>
          tpu.vector_store_idx %arg9[%add3A_387], %get3A_316 {add = true} : memref<24576xf32, #tpu.memory_space<vmem>>[vector<16xi32>], vector<16xf32>,
          %mul3A_388 = arith.mulf %get3A_316, %get3A_316 : vector<16xf32>
          tpu.vector_store_idx %arg10[%add3A_387], %mul3A_388 {add = true} : memref<24576xf32, #tpu.memory_space<vmem>>[vector<16xi32>], vector<16xf32>,
          %add3A_389 = arith.constant 0 : i32
          %add3A_390 = vector.broadcast %add3A_389 : i32 to vector<16xi32>
          %add3A_391 = arith.addi %add3A_331, %add3A_390 : vector<16xi32>
          tpu.vector_store_idx %arg9[%add3A_391], %get3A_338 {add = true} : memref<24576xf32, #tpu.memory_space<vmem>>[vector<16xi32>], vector<16xf32>,
          %mul3A_392 = arith.mulf %get3A_338, %get3A_338 : vector<16xf32>
          tpu.vector_store_idx %arg10[%add3A_391], %mul3A_392 {add = true} : memref<24576xf32, #tpu.memory_space<vmem>>[vector<16xi32>], vector<16xf32>,
          %add3A_393 = arith.constant 8192 : i32
          %add3A_394 = vector.broadcast %add3A_393 : i32 to vector<16xi32>
          %add3A_395 = arith.addi %add3A_331, %add3A_394 : vector<16xi32>
          tpu.vector_store_idx %arg9[%add3A_395], %get3A_345 {add = true} : memref<24576xf32, #tpu.memory_space<vmem>>[vector<16xi32>], vector<16xf32>,
          %mul3A_396 = arith.mulf %get3A_345, %get3A_345 : vector<16xf32>
          tpu.vector_store_idx %arg10[%add3A_395], %mul3A_396 {add = true} : memref<24576xf32, #tpu.memory_space<vmem>>[vector<16xi32>], vector<16xf32>,
          %add3A_397 = arith.constant 16384 : i32
          %add3A_398 = vector.broadcast %add3A_397 : i32 to vector<16xi32>
          %add3A_399 = arith.addi %add3A_331, %add3A_398 : vector<16xi32>
          tpu.vector_store_idx %arg9[%add3A_399], %get3A_352 {add = true} : memref<24576xf32, #tpu.memory_space<vmem>>[vector<16xi32>], vector<16xf32>,
          %mul3A_400 = arith.mulf %get3A_352, %get3A_352 : vector<16xf32>
          tpu.vector_store_idx %arg10[%add3A_399], %mul3A_400 {add = true} : memref<24576xf32, #tpu.memory_space<vmem>>[vector<16xi32>], vector<16xf32>,
          %eq3A_401 = arith.constant 0 : i32
          %eq3A_402 = arith.cmpi eq, %add3A, %eq3A_401 : i32
          %convert_element_type3A_403 = arith.extui %eq3A_402 : i1 to i32
          %cond3A_404 = arith.constant 0 : i32
          %cond3A_405 = arith.cmpi ne, %convert_element_type3A_403, %cond3A_404 : i32
          scf.if %cond3A_405 {
            tpu.vector_store_idx %arg11[%add3A_223], %broadcast_in_dim3A_5 {add = true} : memref<8192xf32, #tpu.memory_space<vmem>>[vector<16xi32>], vector<16xf32>,
            tpu.vector_store_idx %arg11[%add3A_259], %broadcast_in_dim3A_5 {add = true} : memref<8192xf32, #tpu.memory_space<vmem>>[vector<16xi32>], vector<16xf32>,
            tpu.vector_store_idx %arg11[%add3A_295], %broadcast_in_dim3A_5 {add = true} : memref<8192xf32, #tpu.memory_space<vmem>>[vector<16xi32>], vector<16xf32>,
            tpu.vector_store_idx %arg11[%add3A_331], %broadcast_in_dim3A_5 {add = true} : memref<8192xf32, #tpu.memory_space<vmem>>[vector<16xi32>], vector<16xf32>,
          } else {
          }
          %scan3A_406 = arith.constant 0 : i32
          scf.yield %scan3A_406 : i32
        }
        %scan3A_206 = arith.constant 8 : i32
        %scan3A_207 = arith.constant 0 : i32
        scf.yield %scan3A_207 : i32
      }
      %scan3A_145 = arith.constant 16 : i32
      %add3A_146 = arith.constant 2 : i32
      %add3A_147 = arith.addi %mul3A_65, %add3A_146 : i32
      %lt3A = arith.constant 32 : i32
      %lt3A_148 = arith.cmpi slt, %add3A_147, %lt3A : i32
      %convert_element_type3A_149 = arith.extui %lt3A_148 : i1 to i32
      %cond3A_150 = arith.constant 0 : i32
      %cond3A_151 = arith.cmpi ne, %convert_element_type3A_149, %cond3A_150 : i32
      scf.if %cond3A_151 {
        %add3A_198 = arith.constant 2 : i32
        %add3A_199 = arith.addi %mul3A_65, %add3A_198 : i32
        %mul3A_200 = arith.constant 16 : i32
        %mul3A_201 = arith.muli %add3A_199, %mul3A_200 : i32
        %dma_start3A_202 = arith.constant 0 : i32
        %dma_start3A_203 = arith.constant 0 : i32
        %dma_start3A_204 = arith.constant 0 : i32
        %dma_start3A_205 = arith.constant 0 : i32
        %dma_start3A_206 = tpu.memref_slice %arg7[%dma_start3A_203, %dma_start3A_204, %dma_start3A_205] : memref<2x16x512xi32, #tpu.memory_space<vmem>> -> memref<1x16x512xi32, #tpu.memory_space<vmem>>
        %dma_start3A_207 = tpu.memref_squeeze %dma_start3A_206 : memref<1x16x512xi32, #tpu.memory_space<vmem>> -> memref<16x512xi32, #tpu.memory_space<vmem>>
        %dma_start3A_208 = arith.constant 0 : i32
        %dma_start3A_209 = tpu.memref_slice %arg3[%dma_start3A_202, %mul3A_201, %dma_start3A_208] : memref<2x512x512xi32, #tpu.memory_space<hbm>> -> memref<1x16x512xi32, #tpu.memory_space<hbm>>
        %dma_start3A_210 = tpu.memref_squeeze %dma_start3A_209 : memref<1x16x512xi32, #tpu.memory_space<hbm>> -> memref<16x512xi32, #tpu.memory_space<hbm>>
        %dma_start3A_211 = arith.constant 0 : i32
        %dma_start3A_212 = arith.constant 0 : i32
        %dma_start3A_213 = tpu.memref_slice %arg7[%dma_start3A_203, %dma_start3A_211, %dma_start3A_212] : memref<2x16x512xi32, #tpu.memory_space<vmem>> -> memref<1x16x512xi32, #tpu.memory_space<vmem>>
        %dma_start3A_214 = tpu.memref_squeeze %dma_start3A_213 : memref<1x16x512xi32, #tpu.memory_space<vmem>> -> memref<16x512xi32, #tpu.memory_space<vmem>>
        %dma_start3A_215 = arith.constant 0 : i32
        %dma_start3A_216 = tpu.memref_slice %arg3[%dma_start3A_202, %mul3A_201, %dma_start3A_215] : memref<2x512x512xi32, #tpu.memory_space<hbm>> -> memref<1x16x512xi32, #tpu.memory_space<hbm>>
        %dma_start3A_217 = tpu.memref_squeeze %dma_start3A_216 : memref<1x16x512xi32, #tpu.memory_space<hbm>> -> memref<16x512xi32, #tpu.memory_space<hbm>>
        tpu.enqueue_dma source(%dma_start3A_217 : memref<16x512xi32, #tpu.memory_space<hbm>>) target(%dma_start3A_214 : memref<16x512xi32, #tpu.memory_space<vmem>>) target_semaphore(%arg12 : memref<!tpu.dma_semaphore, #tpu.memory_space<semaphore_mem>>)
        %dma_start3A_218 = arith.constant 0 : i32
        %dma_start3A_219 = arith.constant 0 : i32
        %dma_start3A_220 = arith.constant 0 : i32
        %dma_start3A_221 = arith.constant 0 : i32
        %dma_start3A_222 = arith.constant 0 : i32
        %dma_start3A_223 = tpu.memref_slice %arg8[%dma_start3A_219, %dma_start3A_220, %dma_start3A_221, %dma_start3A_222] : memref<2x3x16x512xf32, #tpu.memory_space<vmem>> -> memref<1x3x16x512xf32, #tpu.memory_space<vmem>>
        %dma_start3A_224 = tpu.memref_squeeze %dma_start3A_223 : memref<1x3x16x512xf32, #tpu.memory_space<vmem>> -> memref<3x16x512xf32, #tpu.memory_space<vmem>>
        %dma_start3A_225 = arith.constant 0 : i32
        %dma_start3A_226 = tpu.memref_slice %arg2[%dma_start3A_218, %mul3A_2, %mul3A_201, %dma_start3A_225] : memref<2x96x512x512xf32, #tpu.memory_space<hbm>> -> memref<1x3x16x512xf32, #tpu.memory_space<hbm>>
        %dma_start3A_227 = tpu.memref_squeeze %dma_start3A_226 : memref<1x3x16x512xf32, #tpu.memory_space<hbm>> -> memref<3x16x512xf32, #tpu.memory_space<hbm>>
        %dma_start3A_228 = arith.constant 0 : i32
        %dma_start3A_229 = arith.constant 0 : i32
        %dma_start3A_230 = arith.constant 0 : i32
        %dma_start3A_231 = tpu.memref_slice %arg8[%dma_start3A_219, %dma_start3A_228, %dma_start3A_229, %dma_start3A_230] : memref<2x3x16x512xf32, #tpu.memory_space<vmem>> -> memref<1x3x16x512xf32, #tpu.memory_space<vmem>>
        %dma_start3A_232 = tpu.memref_squeeze %dma_start3A_231 : memref<1x3x16x512xf32, #tpu.memory_space<vmem>> -> memref<3x16x512xf32, #tpu.memory_space<vmem>>
        %dma_start3A_233 = arith.constant 0 : i32
        %dma_start3A_234 = tpu.memref_slice %arg2[%dma_start3A_218, %mul3A_2, %mul3A_201, %dma_start3A_233] : memref<2x96x512x512xf32, #tpu.memory_space<hbm>> -> memref<1x3x16x512xf32, #tpu.memory_space<hbm>>
        %dma_start3A_235 = tpu.memref_squeeze %dma_start3A_234 : memref<1x3x16x512xf32, #tpu.memory_space<hbm>> -> memref<3x16x512xf32, #tpu.memory_space<hbm>>
        tpu.enqueue_dma source(%dma_start3A_235 : memref<3x16x512xf32, #tpu.memory_space<hbm>>) target(%dma_start3A_232 : memref<3x16x512xf32, #tpu.memory_space<vmem>>) target_semaphore(%arg12 : memref<!tpu.dma_semaphore, #tpu.memory_space<semaphore_mem>>)
      } else {
      }
      %add3A_152 = arith.constant 1 : i32
      %add3A_153 = arith.addi %mul3A_65, %add3A_152 : i32
      %mul3A_154 = arith.constant 16 : i32
      %mul3A_155 = arith.muli %add3A_153, %mul3A_154 : i32
      %dma_wait3A_156 = arith.constant 0 : i32
      %dma_wait3A_157 = arith.constant 1 : i32
      %dma_wait3A_158 = arith.constant 0 : i32
      %dma_wait3A_159 = arith.constant 0 : i32
      %dma_wait3A_160 = tpu.memref_slice %arg7[%dma_wait3A_157, %dma_wait3A_158, %dma_wait3A_159] : memref<2x16x512xi32, #tpu.memory_space<vmem>> -> memref<1x16x512xi32, #tpu.memory_space<vmem>>
      %dma_wait3A_161 = tpu.memref_squeeze %dma_wait3A_160 : memref<1x16x512xi32, #tpu.memory_space<vmem>> -> memref<16x512xi32, #tpu.memory_space<vmem>>
      %dma_wait3A_162 = arith.constant 0 : i32
      %dma_wait3A_163 = tpu.memref_slice %arg3[%dma_wait3A_156, %mul3A_155, %dma_wait3A_162] : memref<2x512x512xi32, #tpu.memory_space<hbm>> -> memref<1x16x512xi32, #tpu.memory_space<hbm>>
      %dma_wait3A_164 = tpu.memref_squeeze %dma_wait3A_163 : memref<1x16x512xi32, #tpu.memory_space<hbm>> -> memref<16x512xi32, #tpu.memory_space<hbm>>
      %dma_wait3A_165 = arith.constant 0 : i32
      %dma_wait3A_166 = arith.constant 0 : i32
      %dma_wait3A_167 = tpu.memref_slice %arg7[%dma_wait3A_157, %dma_wait3A_165, %dma_wait3A_166] : memref<2x16x512xi32, #tpu.memory_space<vmem>> -> memref<1x16x512xi32, #tpu.memory_space<vmem>>
      %dma_wait3A_168 = tpu.memref_squeeze %dma_wait3A_167 : memref<1x16x512xi32, #tpu.memory_space<vmem>> -> memref<16x512xi32, #tpu.memory_space<vmem>>
      %dma_wait3A_169 = arith.constant 0 : i32
      %dma_wait3A_170 = tpu.memref_slice %arg3[%dma_wait3A_156, %mul3A_155, %dma_wait3A_169] : memref<2x512x512xi32, #tpu.memory_space<hbm>> -> memref<1x16x512xi32, #tpu.memory_space<hbm>>
      %dma_wait3A_171 = tpu.memref_squeeze %dma_wait3A_170 : memref<1x16x512xi32, #tpu.memory_space<hbm>> -> memref<16x512xi32, #tpu.memory_space<hbm>>
      tpu.wait_dma2 semaphore(%arg13 : memref<!tpu.dma_semaphore, #tpu.memory_space<semaphore_mem>>) src(%dma_wait3A_171 : memref<16x512xi32, #tpu.memory_space<hbm>>) dst(%dma_wait3A_168 : memref<16x512xi32, #tpu.memory_space<vmem>>)
      %dma_wait3A_172 = arith.constant 0 : i32
      %dma_wait3A_173 = arith.constant 1 : i32
      %dma_wait3A_174 = arith.constant 0 : i32
      %dma_wait3A_175 = arith.constant 0 : i32
      %dma_wait3A_176 = arith.constant 0 : i32
      %dma_wait3A_177 = tpu.memref_slice %arg8[%dma_wait3A_173, %dma_wait3A_174, %dma_wait3A_175, %dma_wait3A_176] : memref<2x3x16x512xf32, #tpu.memory_space<vmem>> -> memref<1x3x16x512xf32, #tpu.memory_space<vmem>>
      %dma_wait3A_178 = tpu.memref_squeeze %dma_wait3A_177 : memref<1x3x16x512xf32, #tpu.memory_space<vmem>> -> memref<3x16x512xf32, #tpu.memory_space<vmem>>
      %dma_wait3A_179 = arith.constant 0 : i32
      %dma_wait3A_180 = tpu.memref_slice %arg2[%dma_wait3A_172, %mul3A_2, %mul3A_155, %dma_wait3A_179] : memref<2x96x512x512xf32, #tpu.memory_space<hbm>> -> memref<1x3x16x512xf32, #tpu.memory_space<hbm>>
      %dma_wait3A_181 = tpu.memref_squeeze %dma_wait3A_180 : memref<1x3x16x512xf32, #tpu.memory_space<hbm>> -> memref<3x16x512xf32, #tpu.memory_space<hbm>>
      %dma_wait3A_182 = arith.constant 0 : i32
      %dma_wait3A_183 = arith.constant 0 : i32
      %dma_wait3A_184 = arith.constant 0 : i32
      %dma_wait3A_185 = tpu.memref_slice %arg8[%dma_wait3A_173, %dma_wait3A_182, %dma_wait3A_183, %dma_wait3A_184] : memref<2x3x16x512xf32, #tpu.memory_space<vmem>> -> memref<1x3x16x512xf32, #tpu.memory_space<vmem>>
      %dma_wait3A_186 = tpu.memref_squeeze %dma_wait3A_185 : memref<1x3x16x512xf32, #tpu.memory_space<vmem>> -> memref<3x16x512xf32, #tpu.memory_space<vmem>>
      %dma_wait3A_187 = arith.constant 0 : i32
      %dma_wait3A_188 = tpu.memref_slice %arg2[%dma_wait3A_172, %mul3A_2, %mul3A_155, %dma_wait3A_187] : memref<2x96x512x512xf32, #tpu.memory_space<hbm>> -> memref<1x3x16x512xf32, #tpu.memory_space<hbm>>
      %dma_wait3A_189 = tpu.memref_squeeze %dma_wait3A_188 : memref<1x3x16x512xf32, #tpu.memory_space<hbm>> -> memref<3x16x512xf32, #tpu.memory_space<hbm>>
      tpu.wait_dma2 semaphore(%arg13 : memref<!tpu.dma_semaphore, #tpu.memory_space<semaphore_mem>>) src(%dma_wait3A_189 : memref<3x16x512xf32, #tpu.memory_space<hbm>>) dst(%dma_wait3A_186 : memref<3x16x512xf32, #tpu.memory_space<vmem>>)
      %scan3A_190 = arith.constant 0 : i32
      %scan3A_191 = arith.constant 0 : i32
      %scan3A_192 = arith.constant 16 : i32
      %scan3A_193 = arith.addi %scan3A_191, %scan3A_192 : i32
      %scan3A_194 = arith.constant 1 : i32
      %scan3A_195 = scf.for %scan3A_198 = %scan3A_191 to %scan3A_193 step %scan3A_194 iter_args(%scan3A_199 = %scan3A_190) -> (i32)  : i32 {
        %scan3A_200 = arith.constant 0 : i32
        %scan3A_201 = arith.constant 0 : i32
        %scan3A_202 = arith.constant 8 : i32
        %scan3A_203 = arith.addi %scan3A_201, %scan3A_202 : i32
        %scan3A_204 = arith.constant 1 : i32
        %scan3A_205 = scf.for %scan3A_208 = %scan3A_201 to %scan3A_203 step %scan3A_204 iter_args(%scan3A_209 = %scan3A_200) -> (i32)  : i32 {
          %mul3A_210 = arith.constant 4 : i32
          %mul3A_211 = arith.muli %scan3A_208, %mul3A_210 : i32
          %add3A_212 = arith.constant 0 : i32
          %add3A_213 = arith.addi %mul3A_211, %add3A_212 : i32
          %mul3A_214 = arith.constant 16 : i32
          %mul3A_215 = arith.muli %add3A_213, %mul3A_214 : i32
          %get3A = arith.constant 1 : i32
          %get3A_216 = arith.index_cast %get3A : i32 to index
          %get3A_217 = arith.index_cast %scan3A_198 : i32 to index
          %get3A_218 = arith.index_cast %mul3A_215 : i32 to index
          %get3A_219 = tpu.vector_load %arg7[%get3A_216, %get3A_217, %get3A_218] {strides = array<i32>} : memref<2x16x512xi32, #tpu.memory_space<vmem>>, vector<16xi32>,
          %mul3A_220 = arith.constant 16 : i32
          %mul3A_221 = vector.broadcast %mul3A_220 : i32 to vector<16xi32>
          %mul3A_222 = arith.muli %get3A_219, %mul3A_221 : vector<16xi32>
          %add3A_223 = arith.addi %mul3A_222, %iota3A : vector<16xi32>
          %get3A_224 = arith.constant 1 : i32
          %get3A_225 = arith.constant 0 : i32
          %get3A_226 = arith.index_cast %get3A_224 : i32 to index
          %get3A_227 = arith.index_cast %get3A_225 : i32 to index
          %get3A_228 = arith.index_cast %scan3A_198 : i32 to index
          %get3A_229 = arith.index_cast %mul3A_215 : i32 to index
          %get3A_230 = tpu.vector_load %arg8[%get3A_226, %get3A_227, %get3A_228, %get3A_229] {strides = array<i32>} : memref<2x3x16x512xf32, #tpu.memory_space<vmem>>, vector<16xf32>,
          %get3A_231 = arith.constant 1 : i32
          %get3A_232 = arith.constant 1 : i32
          %get3A_233 = arith.index_cast %get3A_231 : i32 to index
          %get3A_234 = arith.index_cast %get3A_232 : i32 to index
          %get3A_235 = arith.index_cast %scan3A_198 : i32 to index
          %get3A_236 = arith.index_cast %mul3A_215 : i32 to index
          %get3A_237 = tpu.vector_load %arg8[%get3A_233, %get3A_234, %get3A_235, %get3A_236] {strides = array<i32>} : memref<2x3x16x512xf32, #tpu.memory_space<vmem>>, vector<16xf32>,
          %get3A_238 = arith.constant 1 : i32
          %get3A_239 = arith.constant 2 : i32
          %get3A_240 = arith.index_cast %get3A_238 : i32 to index
          %get3A_241 = arith.index_cast %get3A_239 : i32 to index
          %get3A_242 = arith.index_cast %scan3A_198 : i32 to index
          %get3A_243 = arith.index_cast %mul3A_215 : i32 to index
          %get3A_244 = tpu.vector_load %arg8[%get3A_240, %get3A_241, %get3A_242, %get3A_243] {strides = array<i32>} : memref<2x3x16x512xf32, #tpu.memory_space<vmem>>, vector<16xf32>,
          %mul3A_245 = arith.constant 4 : i32
          %mul3A_246 = arith.muli %scan3A_208, %mul3A_245 : i32
          %add3A_247 = arith.constant 1 : i32
          %add3A_248 = arith.addi %mul3A_246, %add3A_247 : i32
          %mul3A_249 = arith.constant 16 : i32
          %mul3A_250 = arith.muli %add3A_248, %mul3A_249 : i32
          %get3A_251 = arith.constant 1 : i32
          %get3A_252 = arith.index_cast %get3A_251 : i32 to index
          %get3A_253 = arith.index_cast %scan3A_198 : i32 to index
          %get3A_254 = arith.index_cast %mul3A_250 : i32 to index
          %get3A_255 = tpu.vector_load %arg7[%get3A_252, %get3A_253, %get3A_254] {strides = array<i32>} : memref<2x16x512xi32, #tpu.memory_space<vmem>>, vector<16xi32>,
          %mul3A_256 = arith.constant 16 : i32
          %mul3A_257 = vector.broadcast %mul3A_256 : i32 to vector<16xi32>
          %mul3A_258 = arith.muli %get3A_255, %mul3A_257 : vector<16xi32>
          %add3A_259 = arith.addi %mul3A_258, %iota3A : vector<16xi32>
          %get3A_260 = arith.constant 1 : i32
          %get3A_261 = arith.constant 0 : i32
          %get3A_262 = arith.index_cast %get3A_260 : i32 to index
          %get3A_263 = arith.index_cast %get3A_261 : i32 to index
          %get3A_264 = arith.index_cast %scan3A_198 : i32 to index
          %get3A_265 = arith.index_cast %mul3A_250 : i32 to index
          %get3A_266 = tpu.vector_load %arg8[%get3A_262, %get3A_263, %get3A_264, %get3A_265] {strides = array<i32>} : memref<2x3x16x512xf32, #tpu.memory_space<vmem>>, vector<16xf32>,
          %get3A_267 = arith.constant 1 : i32
          %get3A_268 = arith.constant 1 : i32
          %get3A_269 = arith.index_cast %get3A_267 : i32 to index
          %get3A_270 = arith.index_cast %get3A_268 : i32 to index
          %get3A_271 = arith.index_cast %scan3A_198 : i32 to index
          %get3A_272 = arith.index_cast %mul3A_250 : i32 to index
          %get3A_273 = tpu.vector_load %arg8[%get3A_269, %get3A_270, %get3A_271, %get3A_272] {strides = array<i32>} : memref<2x3x16x512xf32, #tpu.memory_space<vmem>>, vector<16xf32>,
          %get3A_274 = arith.constant 1 : i32
          %get3A_275 = arith.constant 2 : i32
          %get3A_276 = arith.index_cast %get3A_274 : i32 to index
          %get3A_277 = arith.index_cast %get3A_275 : i32 to index
          %get3A_278 = arith.index_cast %scan3A_198 : i32 to index
          %get3A_279 = arith.index_cast %mul3A_250 : i32 to index
          %get3A_280 = tpu.vector_load %arg8[%get3A_276, %get3A_277, %get3A_278, %get3A_279] {strides = array<i32>} : memref<2x3x16x512xf32, #tpu.memory_space<vmem>>, vector<16xf32>,
          %mul3A_281 = arith.constant 4 : i32
          %mul3A_282 = arith.muli %scan3A_208, %mul3A_281 : i32
          %add3A_283 = arith.constant 2 : i32
          %add3A_284 = arith.addi %mul3A_282, %add3A_283 : i32
          %mul3A_285 = arith.constant 16 : i32
          %mul3A_286 = arith.muli %add3A_284, %mul3A_285 : i32
          %get3A_287 = arith.constant 1 : i32
          %get3A_288 = arith.index_cast %get3A_287 : i32 to index
          %get3A_289 = arith.index_cast %scan3A_198 : i32 to index
          %get3A_290 = arith.index_cast %mul3A_286 : i32 to index
          %get3A_291 = tpu.vector_load %arg7[%get3A_288, %get3A_289, %get3A_290] {strides = array<i32>} : memref<2x16x512xi32, #tpu.memory_space<vmem>>, vector<16xi32>,
          %mul3A_292 = arith.constant 16 : i32
          %mul3A_293 = vector.broadcast %mul3A_292 : i32 to vector<16xi32>
          %mul3A_294 = arith.muli %get3A_291, %mul3A_293 : vector<16xi32>
          %add3A_295 = arith.addi %mul3A_294, %iota3A : vector<16xi32>
          %get3A_296 = arith.constant 1 : i32
          %get3A_297 = arith.constant 0 : i32
          %get3A_298 = arith.index_cast %get3A_296 : i32 to index
          %get3A_299 = arith.index_cast %get3A_297 : i32 to index
          %get3A_300 = arith.index_cast %scan3A_198 : i32 to index
          %get3A_301 = arith.index_cast %mul3A_286 : i32 to index
          %get3A_302 = tpu.vector_load %arg8[%get3A_298, %get3A_299, %get3A_300, %get3A_301] {strides = array<i32>} : memref<2x3x16x512xf32, #tpu.memory_space<vmem>>, vector<16xf32>,
          %get3A_303 = arith.constant 1 : i32
          %get3A_304 = arith.constant 1 : i32
          %get3A_305 = arith.index_cast %get3A_303 : i32 to index
          %get3A_306 = arith.index_cast %get3A_304 : i32 to index
          %get3A_307 = arith.index_cast %scan3A_198 : i32 to index
          %get3A_308 = arith.index_cast %mul3A_286 : i32 to index
          %get3A_309 = tpu.vector_load %arg8[%get3A_305, %get3A_306, %get3A_307, %get3A_308] {strides = array<i32>} : memref<2x3x16x512xf32, #tpu.memory_space<vmem>>, vector<16xf32>,
          %get3A_310 = arith.constant 1 : i32
          %get3A_311 = arith.constant 2 : i32
          %get3A_312 = arith.index_cast %get3A_310 : i32 to index
          %get3A_313 = arith.index_cast %get3A_311 : i32 to index
          %get3A_314 = arith.index_cast %scan3A_198 : i32 to index
          %get3A_315 = arith.index_cast %mul3A_286 : i32 to index
          %get3A_316 = tpu.vector_load %arg8[%get3A_312, %get3A_313, %get3A_314, %get3A_315] {strides = array<i32>} : memref<2x3x16x512xf32, #tpu.memory_space<vmem>>, vector<16xf32>,
          %mul3A_317 = arith.constant 4 : i32
          %mul3A_318 = arith.muli %scan3A_208, %mul3A_317 : i32
          %add3A_319 = arith.constant 3 : i32
          %add3A_320 = arith.addi %mul3A_318, %add3A_319 : i32
          %mul3A_321 = arith.constant 16 : i32
          %mul3A_322 = arith.muli %add3A_320, %mul3A_321 : i32
          %get3A_323 = arith.constant 1 : i32
          %get3A_324 = arith.index_cast %get3A_323 : i32 to index
          %get3A_325 = arith.index_cast %scan3A_198 : i32 to index
          %get3A_326 = arith.index_cast %mul3A_322 : i32 to index
          %get3A_327 = tpu.vector_load %arg7[%get3A_324, %get3A_325, %get3A_326] {strides = array<i32>} : memref<2x16x512xi32, #tpu.memory_space<vmem>>, vector<16xi32>,
          %mul3A_328 = arith.constant 16 : i32
          %mul3A_329 = vector.broadcast %mul3A_328 : i32 to vector<16xi32>
          %mul3A_330 = arith.muli %get3A_327, %mul3A_329 : vector<16xi32>
          %add3A_331 = arith.addi %mul3A_330, %iota3A : vector<16xi32>
          %get3A_332 = arith.constant 1 : i32
          %get3A_333 = arith.constant 0 : i32
          %get3A_334 = arith.index_cast %get3A_332 : i32 to index
          %get3A_335 = arith.index_cast %get3A_333 : i32 to index
          %get3A_336 = arith.index_cast %scan3A_198 : i32 to index
          %get3A_337 = arith.index_cast %mul3A_322 : i32 to index
          %get3A_338 = tpu.vector_load %arg8[%get3A_334, %get3A_335, %get3A_336, %get3A_337] {strides = array<i32>} : memref<2x3x16x512xf32, #tpu.memory_space<vmem>>, vector<16xf32>,
          %get3A_339 = arith.constant 1 : i32
          %get3A_340 = arith.constant 1 : i32
          %get3A_341 = arith.index_cast %get3A_339 : i32 to index
          %get3A_342 = arith.index_cast %get3A_340 : i32 to index
          %get3A_343 = arith.index_cast %scan3A_198 : i32 to index
          %get3A_344 = arith.index_cast %mul3A_322 : i32 to index
          %get3A_345 = tpu.vector_load %arg8[%get3A_341, %get3A_342, %get3A_343, %get3A_344] {strides = array<i32>} : memref<2x3x16x512xf32, #tpu.memory_space<vmem>>, vector<16xf32>,
          %get3A_346 = arith.constant 1 : i32
          %get3A_347 = arith.constant 2 : i32
          %get3A_348 = arith.index_cast %get3A_346 : i32 to index
          %get3A_349 = arith.index_cast %get3A_347 : i32 to index
          %get3A_350 = arith.index_cast %scan3A_198 : i32 to index
          %get3A_351 = arith.index_cast %mul3A_322 : i32 to index
          %get3A_352 = tpu.vector_load %arg8[%get3A_348, %get3A_349, %get3A_350, %get3A_351] {strides = array<i32>} : memref<2x3x16x512xf32, #tpu.memory_space<vmem>>, vector<16xf32>,
          %add3A_353 = arith.constant 0 : i32
          %add3A_354 = vector.broadcast %add3A_353 : i32 to vector<16xi32>
          %add3A_355 = arith.addi %add3A_223, %add3A_354 : vector<16xi32>
          tpu.vector_store_idx %arg9[%add3A_355], %get3A_230 {add = true} : memref<24576xf32, #tpu.memory_space<vmem>>[vector<16xi32>], vector<16xf32>,
          %mul3A_356 = arith.mulf %get3A_230, %get3A_230 : vector<16xf32>
          tpu.vector_store_idx %arg10[%add3A_355], %mul3A_356 {add = true} : memref<24576xf32, #tpu.memory_space<vmem>>[vector<16xi32>], vector<16xf32>,
          %add3A_357 = arith.constant 8192 : i32
          %add3A_358 = vector.broadcast %add3A_357 : i32 to vector<16xi32>
          %add3A_359 = arith.addi %add3A_223, %add3A_358 : vector<16xi32>
          tpu.vector_store_idx %arg9[%add3A_359], %get3A_237 {add = true} : memref<24576xf32, #tpu.memory_space<vmem>>[vector<16xi32>], vector<16xf32>,
          %mul3A_360 = arith.mulf %get3A_237, %get3A_237 : vector<16xf32>
          tpu.vector_store_idx %arg10[%add3A_359], %mul3A_360 {add = true} : memref<24576xf32, #tpu.memory_space<vmem>>[vector<16xi32>], vector<16xf32>,
          %add3A_361 = arith.constant 16384 : i32
          %add3A_362 = vector.broadcast %add3A_361 : i32 to vector<16xi32>
          %add3A_363 = arith.addi %add3A_223, %add3A_362 : vector<16xi32>
          tpu.vector_store_idx %arg9[%add3A_363], %get3A_244 {add = true} : memref<24576xf32, #tpu.memory_space<vmem>>[vector<16xi32>], vector<16xf32>,
          %mul3A_364 = arith.mulf %get3A_244, %get3A_244 : vector<16xf32>
          tpu.vector_store_idx %arg10[%add3A_363], %mul3A_364 {add = true} : memref<24576xf32, #tpu.memory_space<vmem>>[vector<16xi32>], vector<16xf32>,
          %add3A_365 = arith.constant 0 : i32
          %add3A_366 = vector.broadcast %add3A_365 : i32 to vector<16xi32>
          %add3A_367 = arith.addi %add3A_259, %add3A_366 : vector<16xi32>
          tpu.vector_store_idx %arg9[%add3A_367], %get3A_266 {add = true} : memref<24576xf32, #tpu.memory_space<vmem>>[vector<16xi32>], vector<16xf32>,
          %mul3A_368 = arith.mulf %get3A_266, %get3A_266 : vector<16xf32>
          tpu.vector_store_idx %arg10[%add3A_367], %mul3A_368 {add = true} : memref<24576xf32, #tpu.memory_space<vmem>>[vector<16xi32>], vector<16xf32>,
          %add3A_369 = arith.constant 8192 : i32
          %add3A_370 = vector.broadcast %add3A_369 : i32 to vector<16xi32>
          %add3A_371 = arith.addi %add3A_259, %add3A_370 : vector<16xi32>
          tpu.vector_store_idx %arg9[%add3A_371], %get3A_273 {add = true} : memref<24576xf32, #tpu.memory_space<vmem>>[vector<16xi32>], vector<16xf32>,
          %mul3A_372 = arith.mulf %get3A_273, %get3A_273 : vector<16xf32>
          tpu.vector_store_idx %arg10[%add3A_371], %mul3A_372 {add = true} : memref<24576xf32, #tpu.memory_space<vmem>>[vector<16xi32>], vector<16xf32>,
          %add3A_373 = arith.constant 16384 : i32
          %add3A_374 = vector.broadcast %add3A_373 : i32 to vector<16xi32>
          %add3A_375 = arith.addi %add3A_259, %add3A_374 : vector<16xi32>
          tpu.vector_store_idx %arg9[%add3A_375], %get3A_280 {add = true} : memref<24576xf32, #tpu.memory_space<vmem>>[vector<16xi32>], vector<16xf32>,
          %mul3A_376 = arith.mulf %get3A_280, %get3A_280 : vector<16xf32>
          tpu.vector_store_idx %arg10[%add3A_375], %mul3A_376 {add = true} : memref<24576xf32, #tpu.memory_space<vmem>>[vector<16xi32>], vector<16xf32>,
          %add3A_377 = arith.constant 0 : i32
          %add3A_378 = vector.broadcast %add3A_377 : i32 to vector<16xi32>
          %add3A_379 = arith.addi %add3A_295, %add3A_378 : vector<16xi32>
          tpu.vector_store_idx %arg9[%add3A_379], %get3A_302 {add = true} : memref<24576xf32, #tpu.memory_space<vmem>>[vector<16xi32>], vector<16xf32>,
          %mul3A_380 = arith.mulf %get3A_302, %get3A_302 : vector<16xf32>
          tpu.vector_store_idx %arg10[%add3A_379], %mul3A_380 {add = true} : memref<24576xf32, #tpu.memory_space<vmem>>[vector<16xi32>], vector<16xf32>,
          %add3A_381 = arith.constant 8192 : i32
          %add3A_382 = vector.broadcast %add3A_381 : i32 to vector<16xi32>
          %add3A_383 = arith.addi %add3A_295, %add3A_382 : vector<16xi32>
          tpu.vector_store_idx %arg9[%add3A_383], %get3A_309 {add = true} : memref<24576xf32, #tpu.memory_space<vmem>>[vector<16xi32>], vector<16xf32>,
          %mul3A_384 = arith.mulf %get3A_309, %get3A_309 : vector<16xf32>
          tpu.vector_store_idx %arg10[%add3A_383], %mul3A_384 {add = true} : memref<24576xf32, #tpu.memory_space<vmem>>[vector<16xi32>], vector<16xf32>,
          %add3A_385 = arith.constant 16384 : i32
          %add3A_386 = vector.broadcast %add3A_385 : i32 to vector<16xi32>
          %add3A_387 = arith.addi %add3A_295, %add3A_386 : vector<16xi32>
          tpu.vector_store_idx %arg9[%add3A_387], %get3A_316 {add = true} : memref<24576xf32, #tpu.memory_space<vmem>>[vector<16xi32>], vector<16xf32>,
          %mul3A_388 = arith.mulf %get3A_316, %get3A_316 : vector<16xf32>
          tpu.vector_store_idx %arg10[%add3A_387], %mul3A_388 {add = true} : memref<24576xf32, #tpu.memory_space<vmem>>[vector<16xi32>], vector<16xf32>,
          %add3A_389 = arith.constant 0 : i32
          %add3A_390 = vector.broadcast %add3A_389 : i32 to vector<16xi32>
          %add3A_391 = arith.addi %add3A_331, %add3A_390 : vector<16xi32>
          tpu.vector_store_idx %arg9[%add3A_391], %get3A_338 {add = true} : memref<24576xf32, #tpu.memory_space<vmem>>[vector<16xi32>], vector<16xf32>,
          %mul3A_392 = arith.mulf %get3A_338, %get3A_338 : vector<16xf32>
          tpu.vector_store_idx %arg10[%add3A_391], %mul3A_392 {add = true} : memref<24576xf32, #tpu.memory_space<vmem>>[vector<16xi32>], vector<16xf32>,
          %add3A_393 = arith.constant 8192 : i32
          %add3A_394 = vector.broadcast %add3A_393 : i32 to vector<16xi32>
          %add3A_395 = arith.addi %add3A_331, %add3A_394 : vector<16xi32>
          tpu.vector_store_idx %arg9[%add3A_395], %get3A_345 {add = true} : memref<24576xf32, #tpu.memory_space<vmem>>[vector<16xi32>], vector<16xf32>,
          %mul3A_396 = arith.mulf %get3A_345, %get3A_345 : vector<16xf32>
          tpu.vector_store_idx %arg10[%add3A_395], %mul3A_396 {add = true} : memref<24576xf32, #tpu.memory_space<vmem>>[vector<16xi32>], vector<16xf32>,
          %add3A_397 = arith.constant 16384 : i32
          %add3A_398 = vector.broadcast %add3A_397 : i32 to vector<16xi32>
          %add3A_399 = arith.addi %add3A_331, %add3A_398 : vector<16xi32>
          tpu.vector_store_idx %arg9[%add3A_399], %get3A_352 {add = true} : memref<24576xf32, #tpu.memory_space<vmem>>[vector<16xi32>], vector<16xf32>,
          %mul3A_400 = arith.mulf %get3A_352, %get3A_352 : vector<16xf32>
          tpu.vector_store_idx %arg10[%add3A_399], %mul3A_400 {add = true} : memref<24576xf32, #tpu.memory_space<vmem>>[vector<16xi32>], vector<16xf32>,
          %eq3A_401 = arith.constant 0 : i32
          %eq3A_402 = arith.cmpi eq, %add3A, %eq3A_401 : i32
          %convert_element_type3A_403 = arith.extui %eq3A_402 : i1 to i32
          %cond3A_404 = arith.constant 0 : i32
          %cond3A_405 = arith.cmpi ne, %convert_element_type3A_403, %cond3A_404 : i32
          scf.if %cond3A_405 {
            tpu.vector_store_idx %arg11[%add3A_223], %broadcast_in_dim3A_5 {add = true} : memref<8192xf32, #tpu.memory_space<vmem>>[vector<16xi32>], vector<16xf32>,
            tpu.vector_store_idx %arg11[%add3A_259], %broadcast_in_dim3A_5 {add = true} : memref<8192xf32, #tpu.memory_space<vmem>>[vector<16xi32>], vector<16xf32>,
            tpu.vector_store_idx %arg11[%add3A_295], %broadcast_in_dim3A_5 {add = true} : memref<8192xf32, #tpu.memory_space<vmem>>[vector<16xi32>], vector<16xf32>,
            tpu.vector_store_idx %arg11[%add3A_331], %broadcast_in_dim3A_5 {add = true} : memref<8192xf32, #tpu.memory_space<vmem>>[vector<16xi32>], vector<16xf32>,
          } else {
          }
          %scan3A_406 = arith.constant 0 : i32
          scf.yield %scan3A_406 : i32
        }
        %scan3A_206 = arith.constant 8 : i32
        %scan3A_207 = arith.constant 0 : i32
        scf.yield %scan3A_207 : i32
      }
      %scan3A_196 = arith.constant 16 : i32
      %scan3A_197 = arith.constant 0 : i32
      scf.yield %scan3A_197 : i32
    }
    %scan3A_55 = arith.constant 16 : i32
    %mul3A_56 = arith.constant 8192 : i32
    %mul3A_57 = arith.muli %mul3A_2, %mul3A_56 : i32
    "tpu.region"() ({
      %run_scoped3A = tpu.sem_alloc : memref<!tpu.dma_semaphore, #tpu.memory_space<semaphore_mem>>
      %dma_start3A_62 = tpu.memref_slice %arg4[%mul3A_57] : memref<786432xf32, #tpu.memory_space<hbm>> -> memref<24576xf32, #tpu.memory_space<hbm>>
      %dma_start3A_63 = tpu.memref_slice %arg4[%mul3A_57] : memref<786432xf32, #tpu.memory_space<hbm>> -> memref<24576xf32, #tpu.memory_space<hbm>>
      tpu.enqueue_dma source(%arg9 : memref<24576xf32, #tpu.memory_space<vmem>>) target(%dma_start3A_63 : memref<24576xf32, #tpu.memory_space<hbm>>) target_semaphore(%run_scoped3A : memref<!tpu.dma_semaphore, #tpu.memory_space<semaphore_mem>>)
      %dma_wait3A = tpu.memref_slice %arg4[%mul3A_57] : memref<786432xf32, #tpu.memory_space<hbm>> -> memref<24576xf32, #tpu.memory_space<hbm>>
      %dma_wait3A_64 = tpu.memref_slice %arg4[%mul3A_57] : memref<786432xf32, #tpu.memory_space<hbm>> -> memref<24576xf32, #tpu.memory_space<hbm>>
      tpu.wait_dma2 semaphore(%run_scoped3A : memref<!tpu.dma_semaphore, #tpu.memory_space<semaphore_mem>>) src(%arg9 : memref<24576xf32, #tpu.memory_space<vmem>>) dst(%dma_wait3A_64 : memref<24576xf32, #tpu.memory_space<hbm>>)
      tpu.yield
    }) : () -> ()
    %mul3A_58 = arith.constant 8192 : i32
    %mul3A_59 = arith.muli %mul3A_2, %mul3A_58 : i32
    "tpu.region"() ({
      %run_scoped3A = tpu.sem_alloc : memref<!tpu.dma_semaphore, #tpu.memory_space<semaphore_mem>>
      %dma_start3A_62 = tpu.memref_slice %arg5[%mul3A_59] : memref<786432xf32, #tpu.memory_space<hbm>> -> memref<24576xf32, #tpu.memory_space<hbm>>
      %dma_start3A_63 = tpu.memref_slice %arg5[%mul3A_59] : memref<786432xf32, #tpu.memory_space<hbm>> -> memref<24576xf32, #tpu.memory_space<hbm>>
      tpu.enqueue_dma source(%arg10 : memref<24576xf32, #tpu.memory_space<vmem>>) target(%dma_start3A_63 : memref<24576xf32, #tpu.memory_space<hbm>>) target_semaphore(%run_scoped3A : memref<!tpu.dma_semaphore, #tpu.memory_space<semaphore_mem>>)
      %dma_wait3A = tpu.memref_slice %arg5[%mul3A_59] : memref<786432xf32, #tpu.memory_space<hbm>> -> memref<24576xf32, #tpu.memory_space<hbm>>
      %dma_wait3A_64 = tpu.memref_slice %arg5[%mul3A_59] : memref<786432xf32, #tpu.memory_space<hbm>> -> memref<24576xf32, #tpu.memory_space<hbm>>
      tpu.wait_dma2 semaphore(%run_scoped3A : memref<!tpu.dma_semaphore, #tpu.memory_space<semaphore_mem>>) src(%arg10 : memref<24576xf32, #tpu.memory_space<vmem>>) dst(%dma_wait3A_64 : memref<24576xf32, #tpu.memory_space<hbm>>)
      tpu.yield
    }) : () -> ()
    %eq3A = arith.constant 0 : i32
    %eq3A_60 = arith.cmpi eq, %add3A, %eq3A : i32
    %convert_element_type3A = arith.extui %eq3A_60 : i1 to i32
    %cond3A = arith.constant 0 : i32
    %cond3A_61 = arith.cmpi ne, %convert_element_type3A, %cond3A : i32
    scf.if %cond3A_61 {
      "tpu.region"() ({
        %run_scoped3A = tpu.sem_alloc : memref<!tpu.dma_semaphore, #tpu.memory_space<semaphore_mem>>
        tpu.enqueue_dma source(%arg11 : memref<8192xf32, #tpu.memory_space<vmem>>) target(%arg6 : memref<8192xf32, #tpu.memory_space<hbm>>) target_semaphore(%run_scoped3A : memref<!tpu.dma_semaphore, #tpu.memory_space<semaphore_mem>>)
        tpu.wait_dma2 semaphore(%run_scoped3A : memref<!tpu.dma_semaphore, #tpu.memory_space<semaphore_mem>>) src(%arg11 : memref<8192xf32, #tpu.memory_space<vmem>>) dst(%arg6 : memref<8192xf32, #tpu.memory_space<hbm>>)
        tpu.yield
      }) : () -> ()
    } else {
    }
    return
  }
}

module attributes {stable_mosaic.version = 14 : i64} {
  func.func @_epilogue_body(%arg0: memref<16x512xf32, #tpu.memory_space<vmem>>, %arg1: memref<1536x512xf32, #tpu.memory_space<vmem>>, %arg2: memref<1536x512xf32, #tpu.memory_space<vmem>>, %arg3: memref<1x1xf32, #tpu.memory_space<smem>>) attributes {dimension_semantics = [], scalar_prefetch = 0 : i64, scratch_operands = 0 : i64, tpu.core_type = #tpu.core_type<tc>} {
    %iota3A = tpu.iota {dimensions = array<i32: 0>} : vector<512x32xi32>
    %iota3A_0 = tpu.iota {dimensions = array<i32: 1>} : vector<512x32xi32>
    %jit3A = arith.constant 16 : i32
    %div3A = vector.broadcast %jit3A : i32 to vector<512x32xi32>
    %div3A_1 = arith.divsi %iota3A, %div3A : vector<512x32xi32>
    %sign3A = arith.constant 0 : i32
    %sign3A_2 = vector.broadcast %sign3A : i32 to vector<512x32xi32>
    %sign3A_3 = arith.cmpi sgt, %iota3A, %sign3A_2 : vector<512x32xi32>
    %sign3A_4 = arith.extui %sign3A_3 : vector<512x32xi1> to vector<512x32xi32>
    %sign3A_5 = arith.constant 0 : i32
    %sign3A_6 = vector.broadcast %sign3A_5 : i32 to vector<512x32xi32>
    %sign3A_7 = arith.cmpi slt, %iota3A, %sign3A_6 : vector<512x32xi32>
    %sign3A_8 = arith.extui %sign3A_7 : vector<512x32xi1> to vector<512x32xi32>
    %sign3A_9 = arith.subi %sign3A_4, %sign3A_8 : vector<512x32xi32>
    %sign3A_10 = arith.constant 0 : i32
    %sign3A_11 = arith.cmpi sgt, %jit3A, %sign3A_10 : i32
    %sign3A_12 = arith.extui %sign3A_11 : i1 to i32
    %sign3A_13 = arith.constant 0 : i32
    %sign3A_14 = arith.cmpi slt, %jit3A, %sign3A_13 : i32
    %sign3A_15 = arith.extui %sign3A_14 : i1 to i32
    %sign3A_16 = arith.subi %sign3A_12, %sign3A_15 : i32
    %ne3A = vector.broadcast %sign3A_16 : i32 to vector<512x32xi32>
    %ne3A_17 = arith.cmpi ne, %sign3A_9, %ne3A : vector<512x32xi32>
    %rem3A = vector.broadcast %jit3A : i32 to vector<512x32xi32>
    %rem3A_18 = arith.remsi %iota3A, %rem3A : vector<512x32xi32>
    %ne3A_19 = arith.constant 0 : i32
    %ne3A_20 = vector.broadcast %ne3A_19 : i32 to vector<512x32xi32>
    %ne3A_21 = arith.cmpi ne, %rem3A_18, %ne3A_20 : vector<512x32xi32>
    %and3A = arith.andi %ne3A_17, %ne3A_21 : vector<512x32xi1>
    %sub3A = arith.constant 1 : i32
    %sub3A_22 = vector.broadcast %sub3A : i32 to vector<512x32xi32>
    %sub3A_23 = arith.subi %div3A_1, %sub3A_22 : vector<512x32xi32>
    %select_n3A = arith.select %and3A, %sub3A_23, %div3A_1 : vector<512x32xi1>, vector<512x32xi32>
    %eq3A = arith.cmpi eq, %select_n3A, %iota3A_0 : vector<512x32xi32>
    %convert_element_type3A = arith.extui %eq3A : vector<512x32xi1> to vector<512x32xi32>
    %convert_element_type3A_24 = arith.sitofp %convert_element_type3A : vector<512x32xi32> to vector<512x32xf32>
    %get3A = arith.constant 0 : index
    %get3A_25 = arith.constant 0 : index
    %get3A_26 = vector.load %arg0[%get3A, %get3A_25] : memref<16x512xf32, #tpu.memory_space<vmem>>, vector<16x512xf32>
    %dot_general3A = arith.constant dense<0.000000e+00> : vector<16x32xf32>
    %dot_general3A_27 = tpu.matmul %get3A_26, %convert_element_type3A_24, %dot_general3A {dimension_numbers = #tpu.dot_dimension_numbers<[1], [0], [0], [1], [0, 0, 1, 1], [], []>, transpose_lhs_hint = false} : vector<16x512xf32>, vector<512x32xf32>, vector<16x32xf32> -> vector<16x32xf32>
    %get3A_28 = arith.constant 0 : index
    %get3A_29 = arith.constant 0 : index
    %get3A_30 = vector.load %arg1[%get3A_28, %get3A_29] : memref<1536x512xf32, #tpu.memory_space<vmem>>, vector<1536x512xf32>
    %dot_general3A_31 = arith.constant dense<0.000000e+00> : vector<1536x32xf32>
    %dot_general3A_32 = tpu.matmul %get3A_30, %convert_element_type3A_24, %dot_general3A_31 {dimension_numbers = #tpu.dot_dimension_numbers<[1], [0], [0], [1], [0, 0, 1, 1], [], []>, transpose_lhs_hint = false} : vector<1536x512xf32>, vector<512x32xf32>, vector<1536x32xf32> -> vector<1536x32xf32>
    %get3A_33 = arith.constant 0 : index
    %get3A_34 = arith.constant 0 : index
    %get3A_35 = vector.load %arg2[%get3A_33, %get3A_34] : memref<1536x512xf32, #tpu.memory_space<vmem>>, vector<1536x512xf32>
    %dot_general3A_36 = arith.constant dense<0.000000e+00> : vector<1536x32xf32>
    %dot_general3A_37 = tpu.matmul %get3A_35, %convert_element_type3A_24, %dot_general3A_36 {dimension_numbers = #tpu.dot_dimension_numbers<[1], [0], [0], [1], [0, 0, 1, 1], [], []>, transpose_lhs_hint = false} : vector<1536x512xf32>, vector<512x32xf32>, vector<1536x32xf32> -> vector<1536x32xf32>
    %max3A = arith.constant 1.000000e+00 : f32
    %max3A_38 = vector.broadcast %max3A : f32 to vector<16x32xf32>
    %max3A_39 = arith.maximumf %dot_general3A_27, %max3A_38 : vector<16x32xf32>
    %reshape3A = vector.shape_cast %dot_general3A_32 : vector<1536x32xf32> to vector<96x16x32xf32>
    %reshape3A_40 = vector.shape_cast %dot_general3A_37 : vector<1536x32xf32> to vector<96x16x32xf32>
    %broadcast_in_dim3A = vector.shape_cast %max3A_39 : vector<16x32xf32> to vector<1x16x32xf32>
    %div3A_41 = vector.broadcast %broadcast_in_dim3A : vector<1x16x32xf32> to vector<96x16x32xf32>
    %div3A_42 = arith.divf %reshape3A, %div3A_41 : vector<96x16x32xf32>
    %broadcast_in_dim3A_43 = vector.shape_cast %max3A_39 : vector<16x32xf32> to vector<1x16x32xf32>
    %mul3A = vector.broadcast %broadcast_in_dim3A_43 : vector<1x16x32xf32> to vector<96x16x32xf32>
    %mul3A_44 = arith.mulf %mul3A, %div3A_42 : vector<96x16x32xf32>
    %mul3A_45 = arith.mulf %mul3A_44, %div3A_42 : vector<96x16x32xf32>
    %sub3A_46 = arith.subf %reshape3A_40, %mul3A_45 : vector<96x16x32xf32>
    %reduce_sum3A = arith.constant dense<0.000000e+00> : vector<16x32xf32>
    %reduce_sum3A_47 = vector.multi_reduction <add>, %sub3A_46, %reduce_sum3A [0] : vector<96x16x32xf32> to vector<16x32xf32>
    %mul3A_48 = arith.constant 9.600000e+01 : f32
    %mul3A_49 = vector.broadcast %mul3A_48 : f32 to vector<16x32xf32>
    %mul3A_50 = arith.mulf %mul3A_49, %max3A_39 : vector<16x32xf32>
    %div3A_51 = arith.divf %reduce_sum3A_47, %mul3A_50 : vector<16x32xf32>
    %ge3A = arith.constant 2.000000e+00 : f32
    %ge3A_52 = vector.broadcast %ge3A : f32 to vector<16x32xf32>
    %ge3A_53 = arith.cmpf oge, %dot_general3A_27, %ge3A_52 : vector<16x32xf32>
    %broadcast_in_dim3A_54 = arith.constant 0.000000e+00 : f32
    %broadcast_in_dim3A_55 = vector.broadcast %broadcast_in_dim3A_54 : f32 to vector<16x32xf32>
    %select_n3A_56 = arith.select %ge3A_53, %div3A_51, %broadcast_in_dim3A_55 : vector<16x32xi1>, vector<16x32xf32>
    %reduce_sum3A_57 = vector.shape_cast %select_n3A_56 : vector<16x32xf32> to vector<1x16x32xf32>
    %reduce_sum3A_58 = arith.constant dense<0.000000e+00> : vector<1xf32>
    %reduce_sum3A_59 = vector.multi_reduction <add>, %reduce_sum3A_57, %reduce_sum3A_58 [1, 2] : vector<1x16x32xf32> to vector<1xf32>
    %reduce_sum3A_60 = vector.shape_cast %reduce_sum3A_59 : vector<1xf32> to vector<1x1x1xf32>
    %reduce_sum3A_61 = vector.extract %reduce_sum3A_60[0, 0, 0] : f32 from vector<1x1x1xf32>
    %gt3A = arith.constant 0.000000e+00 : f32
    %gt3A_62 = vector.broadcast %gt3A : f32 to vector<16x32xf32>
    %gt3A_63 = arith.cmpf ogt, %dot_general3A_27, %gt3A_62 : vector<16x32xf32>
    %convert_element_type3A_64 = arith.extui %gt3A_63 : vector<16x32xi1> to vector<16x32xi32>
    %convert_element_type3A_65 = arith.sitofp %convert_element_type3A_64 : vector<16x32xi32> to vector<16x32xf32>
    %reduce_sum3A_66 = vector.shape_cast %convert_element_type3A_65 : vector<16x32xf32> to vector<1x16x32xf32>
    %reduce_sum3A_67 = arith.constant dense<0.000000e+00> : vector<1xf32>
    %reduce_sum3A_68 = vector.multi_reduction <add>, %reduce_sum3A_66, %reduce_sum3A_67 [1, 2] : vector<1x16x32xf32> to vector<1xf32>
    %reduce_sum3A_69 = vector.shape_cast %reduce_sum3A_68 : vector<1xf32> to vector<1x1x1xf32>
    %reduce_sum3A_70 = vector.extract %reduce_sum3A_69[0, 0, 0] : f32 from vector<1x1x1xf32>
    %div3A_71 = arith.divf %reduce_sum3A_61, %reduce_sum3A_70 : f32
    %swap3A = arith.constant 0 : index
    %swap3A_72 = arith.constant 0 : index
    %swap3A_73 = memref.load %arg3[%swap3A, %swap3A_72] : memref<1x1xf32, #tpu.memory_space<smem>>
    memref.store %div3A_71, %arg3[%swap3A, %swap3A_72] : memref<1x1xf32, #tpu.memory_space<smem>>
    return
  }
}

</mosaic_0001>

<sc_bundles>
// kernel: kernel.4.cloned.1.call-start
scs
__scs_entry_jumppad:
0x0: {  	(pc) =	sbr.rel $0x88, $3  }
0x1: {  	(tag) =	ssettag $0x0;
	lr =	simm.s32 $0x1  }
0x2: {  	[smem:$0x3F9F] =	sst lr;
	_ =	strace $0xD0000000  }
0x3: {  	_ = 	snop  }
0x4: {  	_ = 	snop  }
0x5: {  	_ = 	snop  }
0x6: {  	_ = 	snop  }
0x7: {  	_ = 	snop  }
__scs_overlays_trampoline_lowered:
0x8: {  	[smem:$0x3FAE] =	sst s0  }
0x9: {  	[smem:$0x3FAF] =	sst s1  }
0xa: {  	[smem:$0x3FB0] =	sst s2  }
0xb: {  	[smem:$0x3FB1] =	sst s3  }
0xc: {  	[smem:$0x3FB2] =	sst s4  }
0xd: {  	[smem:$0x3FB3] =	sst s5  }
0xe: {  	[smem:$0x3FB4] =	sst s6  }
0xf: {  	[smem:$0x3FB5] =	sst s7  }
0x10: {  	[smem:$0x3FB6] =	sst s8  }
0x11: {  	[smem:$0x3FB7] =	sst s9;
	s0 =	simm.s32 @!p0 $0x0  }
0x12: {  	s1 =	sld [smem:$0x3F9D];
	s0 =	simm.s32 @p0 $0x1  }
0x13: {  	[smem:$0x3FB8] =	sst s0;
	s0 =	simm.s32 @!p1 $0x0  }
0x14: {  	s2 =	sld [smem:$0x3F9C];
	s0 =	simm.s32 @p1 $0x1  }
0x15: {  	[smem:$0x3FB9] =	sst s0;
	s0 =	simm.s32 @!p2 $0x0  }
0x16: {  	s3 =	sld [smem:$0x3FDB];
	s0 =	simm.s32 @p2 $0x1  }
0x17: {  	s4 =	simm.s32 $0x1BF5;
	[smem:$0x3FBB] =	sst s0  }
0x18: {  	s0 =	sld [smem:$0x3F9E];
	_ =	swait.ge [sflag:s4], $0x0  }
0x19: {  	s7 =	sld [smem:$0x3F9F]  }
0x1a: {  	s8 =	sadd.s32 $0xFFFFE003, lr  }
0x1b: {  	s9 =	sadd.s32 $0xFFFFFEF7, lr;
	s5 =	simm.s32 $0xFFFFFFFF;
	p2 =	slt.u32 s8, $0xFFFFF086  }
0x1c: {  	p1 =	slt.u32 s9, $0xF7A;
	s5 =	simm.s32 @!p2 $0x0  }
0x1d: {  	s5 =	simm.s32 @p1 $0x1;
	p0 =	seq.s32 s7, s2  }
0x1e: {  	s7 =	smul.u32 @!p0 $0xF7A, s2;
	p2 =	seq.s32 @!p0 s5, $0x0  }
0x1f: {  	s9 =	smul.u32 $0xF7A, s1;
	s8 =	simm.s32 @!p0 $0x1BF5;
	p2 =	por !p2, p0  }
0x20: {  	[sflag:s8] =	ssyncset.s32 @!p0 $0xFFFFF086;
	s6 =	sadd.s32 @!p0 s3, s7;
	s7 =	simm.s32 @!p0 $0x108  }
0x21: {  	s3 =	sadd.s32 s3, s9;
	s6 =	sadd.s32 @!p0 $0x88, s6;
	s7 =	simm.s32 @p2 $0x1082  }
0x22: {  	[simem:s7], [sflag:s8] =	dma.local @!p0 [hbm:s6], $0xF7A  }
0x23: {  	s9 =	sor.u32 $0xD0000000, s2;
	s6 =	simm.s32 $0x108;
	_ =	swait.ge @!p0 [sflag:s8], $0x0  }
0x24: {  	s3 =	sadd.s32 $0x88, s3;
	s6 =	simm.s32 @!p1 $0x1082;
	[sflag:s4] =	ssyncset.s32 $0xFFFFF086  }
0x25: {  	[simem:s6], [sflag:s4] =	dma.local [hbm:s3], $0xF7A  }
0x26: {  	[smem:$0x3F9F] =	sst s1;
	(tag) =	ssettag s2;
	_ =	strace s9  }
0x27: {  	s1 =	sld [smem:$0x3FAF]  }
0x28: {  	s2 =	sld [smem:$0x3FB0]  }
0x29: {  	s4 =	sld [smem:$0x3FB2]  }
0x2a: {  	p0 =	seq.s32 s5, $0x0;
	s5 =	sld [smem:$0x3FB3]  }
0x2b: {  	s6 =	sld [smem:$0x3FB4]  }
0x2c: {  	s7 =	sld [smem:$0x3FB5]  }
0x2d: {  	s3 =	simm.s32 $0x108;
	s8 =	sld [smem:$0x3FB6]  }
0x2e: {  	s3 =	simm.s32 @!p0 $0x1082;
	s9 =	sld [smem:$0x3FB7]  }
0x2f: {  	lr =	sadd.s32 s0, s3;
	s0 =	sld [smem:$0x3FAE]  }
0x30: {  	s3 =	sld [smem:$0x3FB1]  }
0x31: {  	[smem:$0x3FBA] =	sst s10  }
0x32: {  	s10 =	sld [smem:$0x3FB8];
	_ =	sdelay $0x3  }
0x33: {  	p0 =	seq.s32 s10, $0x1;
	s10 =	sld [smem:$0x3FBA];
	_ =	sdelay $0x3  }
0x34: {  	[smem:$0x3FBA] =	sst s10  }
0x35: {  	s10 =	sld [smem:$0x3FB9];
	_ =	sdelay $0x3  }
0x36: {  	p1 =	seq.s32 s10, $0x1;
	s10 =	sld [smem:$0x3FBA];
	_ =	sdelay $0x3  }
0x37: {  	[smem:$0x3FBA] =	sst s10  }
0x38: {  	s10 =	sld [smem:$0x3FBB]  }
0x39: {  	_ = 	snop;
	(pc) =	sbr.ind lr, $3  }
0x3a: {  	_ = 	snop  }
0x3b: {  	_ = 	snop  }
0x3c: {  	p2 =	seq.s32 s10, $0x1;
	s10 =	sld [smem:$0x3FBA]  }
0x3d: {  	_ =	shalt  }
0x3e: {  	_ =	shalt  }
0x3f: {  	_ =	shalt  }
0x40: {  	_ =	shalt  }
0x41: {  	_ =	shalt  }
0x42: {  	_ =	shalt  }
0x43: {  	_ =	shalt  }
0x44: {  	_ =	shalt  }
0x45: {  	_ =	shalt  }
0x46: {  	_ =	shalt  }
0x47: {  	_ =	shalt  }
0x48: {  	_ =	shalt  }
0x49: {  	_ =	shalt  }
0x4a: {  	_ =	shalt  }
0x4b: {  	_ =	shalt  }
0x4c: {  	_ =	shalt  }
0x4d: {  	_ =	shalt  }
0x4e: {  	_ =	shalt  }
0x4f: {  	_ =	shalt  }
0x50: {  	_ =	shalt  }
0x51: {  	_ =	shalt  }
0x52: {  	_ =	shalt  }
0x53: {  	_ =	shalt  }
0x54: {  	_ =	shalt  }
0x55: {  	_ =	shalt  }
0x56: {  	_ =	shalt  }
0x57: {  	_ =	shalt  }
0x58: {  	_ =	shalt  }
0x59: {  	_ =	shalt  }
0x5a: {  	_ =	shalt  }
0x5b: {  	_ =	shalt  }
0x5c: {  	_ =	shalt  }
0x5d: {  	_ =	shalt  }
0x5e: {  	_ =	shalt  }
0x5f: {  	_ =	shalt  }
0x60: {  	_ =	shalt  }
0x61: {  	_ =	shalt  }
0x62: {  	_ =	shalt  }
0x63: {  	_ =	shalt  }
0x64: {  	_ =	shalt  }
0x65: {  	_ =	shalt  }
0x66: {  	_ =	shalt  }
0x67: {  	_ =	shalt  }
0x68: {  	_ =	shalt  }
0x69: {  	_ =	shalt  }
0x6a: {  	_ =	shalt  }
0x6b: {  	_ =	shalt  }
0x6c: {  	_ =	shalt  }
0x6d: {  	_ =	shalt  }
0x6e: {  	_ =	shalt  }
0x6f: {  	_ =	shalt  }
0x70: {  	_ =	shalt  }
0x71: {  	_ =	shalt  }
0x72: {  	_ =	shalt  }
0x73: {  	_ =	shalt  }
0x74: {  	_ =	shalt  }
0x75: {  	_ =	shalt  }
0x76: {  	_ =	shalt  }
0x77: {  	_ =	shalt  }
0x78: {  	_ =	shalt  }
0x79: {  	_ =	shalt  }
0x7a: {  	_ =	shalt  }
0x7b: {  	_ =	shalt  }
0x7c: {  	_ =	shalt  }
0x7d: {  	_ =	shalt  }
0x7e: {  	_ =	shalt  }
0x7f: {  	_ =	shalt  }
0x80: {  	_ =	shalt  }
0x81: {  	_ =	shalt  }
0x82: {  	_ =	shalt  }
0x83: {  	_ =	shalt  }
0x84: {  	_ =	shalt  }
0x85: {  	_ =	shalt  }
0x86: {  	_ =	shalt  }
0x87: {  	_ =	shalt  }
.Lfunc_end0:
.L_simem_size_0:
called_computation_lowered:
.L_overlay_start_0:
0x88: {  	s2 =	sld [smem:$0x3FD9]  }
0x89: {  	s3 =	sld [smem:$0x3FFE];
	_ =	sdelay $0x1  }
0x8a: {  	s1 =	srdreg.scid  }
0x8b: {  	s0 =	sand.u32 $0x1, s1  }
0x8c: {  	s17 =	sshll.u32 s0, $0xA;
	s2 =	sadd.s32 s3, s2  }
0x8d: {  	s2 =	sadd.s32 s2, s17  }
0x8e: {  	[smem:$0x3FC6] =	sst s2  }
0x8f: {  	_ = 	snop  }
0x90: {  	s2 =	sld [smem:$0x3FC9]  }
0x91: {  	s18 =	sld [smem:$0x3FC8];
	(tm) =	ssettm $0x1  }
0x92: {  	s4 =	sld [smem:$0x3FFB];
	_ =	sdelay $0x3  }
0x93: {  	_ =	strace s4  }
0x94: {  	s4 =	sld [smem:$0x3FFC];
	_ =	sdelay $0x3  }
0x95: {  	_ =	strace s4  }
0x96: {  	s4 =	sld [smem:$0x3FFD];
	_ =	sdelay $0x3  }
0x97: {  	_ =	strace s4  }
0x98: {  	_ =	strace $0x8FFFFFFF  }
0x99: {  	s19 =	sld [smem:$0x3FDB];
	_ =	sdelay $0x1  }
0x9a: {  	s5 =	simm.s32 $_scs_section_size  }
0x9b: {  	s6 =	simm.s32 $_size__tile_overlayer_lowered;
	s7 =	simm.s32 $_tile_overlayer_lowered  }
0x9c: {  	s22 =	simm.s32 $0x1BFF;
	s21 =	sshll.u32 s7, $0x1;
	s4 =	sadd.s32 s5, s19  }
0x9d: {  	s8 =	simm.s32 $0x0;
	s20 =	sshll.u32 s6, $0x1;
	s6 =	sadd.s32 s21, s4  }
0x9e: {  	[timem:s8], [sflag:s22] =	dma.local [hbm:s6], s20  }
0x9f: {  	_ =	swait.ge [sflag:s22], s20  }
0xa0: {  	s5 =	ssub.s32 $0x0, s20;
	[sflag:s22] =	ssyncset.done $0x0  }
0xa1: {  	[sflag:s22] =	ssyncadd.s32 s5;
	_ =	sdelay $0x1  }
0xa2: {  	s23 =	simm.s32 $0x1B8B  }
0xa3: {  	_ =	swait.ge [sflag:s23], $0x1  }
0xa4: {  	[sflag:s23] =	ssyncset.done $0x0  }
0xa5: {  	s25 =	simm.s32 $0x1B8E;
	s24 =	sld [smem:$0x3FFE];
	[sflag:s23] =	ssyncadd.s32 $0xFFFFFFFF  }
0xa6: {  	s26 =	simm.s32 $execute0_lowered;
	[smem:$0x3FD2] =	sst s25  }
0xa7: {  	s6 =	sshll.u32 s26, $0x1;
	_ =	strace $0x80000046;
	[dreg:$0x1] =	wrdreg $0xFFFFFFFF  }
0xa8: {  	s28 =	simm.s32 $_size_execute0_lowered;
	s4 =	sadd.s32 s4, s6;
	[dreg:$0x0] =	wrdreg $0x0  }
0xa9: {  	s6 =	sshll.u32 s28, $0x1;
	[dreg:$0x2] =	wrdreg s4  }
0xaa: {  	[dreg:$0x3] =	wrdreg s6  }
0xab: {  	[dreg:$0x4] =	wrdreg $0xC0  }
0xac: {  	_ =	task [dreg:s8], $0x5FFFF  }
0xad: {  	[dreg:$0x1] =	wrdreg $0xFFFFFFFF  }
0xae: {  	[dreg:$0x0] =	wrdreg $0x60  }
0xaf: {  	[dreg:$0x2] =	wrdreg s18  }
0xb0: {  	[dreg:$0x3] =	wrdreg s2  }
0xb1: {  	[dreg:$0x4] =	wrdreg s24  }
0xb2: {  	[dreg:$0x5] =	wrdreg $0x9  }
0xb3: {  	_ =	task.clear_ibuf [dreg:s8], $0x6FFFF;
	_ =	strace $0x90000046  }
0xb4: {  	s29 =	simm.s32 $0x9;
	_ =	strace $0x80000048  }
0xb5: {  	_ =	swait.ge [sflag:s29], $0x1  }
0xb6: {  	[sflag:s29] =	ssyncadd.s32 $0xFFFFFFFF  }
0xb7: {  	_ =	strace $0x90000048  }
0xb8: {  	_ =	sfence  }
0xb9: {  	s30 =	sld [smem:$0x0];
	_ =	sdelay $0x2  }
0xba: {  	s31 =	sshll.u32 s1, $0xD;
	s1 =	sshrl.u32 s1, $0x2  }
0xbb: {  	s3 =	sand.u32 $0x4000, s31;
	s1 =	sadd.s32 s1, s30  }
0xbc: {  	s0 =	sor.u32 s3, s0;
	s1 =	sshll.u32 s1, $0x11  }
0xbd: {  	s0 =	sor.u32 s1, s0  }
0xbe: {  	s0 =	sadd.s32 $0x8F2B, s0  }
0xbf: {  	[sflag:s0] =	ssyncadd.remote.s32 $0x1  }
0xc0: {  	_ =	sfence.sel $0xFFFF  }
0xc1: {  	[dreg:$0x0] =	wrdreg $0xFFFFFFFF;
	(pc) =	sbr.abs _section_cstart, $3  }
0xc2: {  	[dreg:$0x1] =	wrdreg $0xFFFFFFFF  }
0xc3: {  	_ =	task.clear_ibuf [dreg:s8], $0x2FFFF;
	_ =	strace $0x9FFFFFFF  }
0xc4: {  	(tm) =	ssettm $0x7FFFFFFF  }
0xc5: {  	_ =	shalt  }
tec
execute0_lowered:
.L_overlay_start_1:
0x0: {  	(tag) =	ssettag $0x1  }
0x1: {  	s0 =	srdreg.scid;
	s5 =	rddreg [dreg:$0x0]  }
0x2: {  	s11 =	rddreg [dreg:$0x1];
	s0 =	sand.u32 $0x1, s0  }
0x3: {  	s3 =	stileid.u32;
	s1 =	sshll.u32 s0, $0x4;
	s0 =	ssub.s32 $0x2, s0  }
0x4: {  	s2 =	rddreg [dreg:$0x2];
	s1 =	sor.u32 s3, s1;
	s4 =	sshrl.u32 s0, $0x1  }
0x5: {  	s6 =	simm.s32 $0x0;
	s3 =	smul.u32 $0xC00, s1;
	s0 =	ssub.s32 s0, s4  }
0x6: {  	[smem:$0x7FF] =	sst s6;
	s15 =	smul.u32 $0xC0000, s1;
	s0 =	smax.u32 s0, $0x1  }
0x7: {  	_ =	strace $0x80000047;
	s3 =	sadd.s32 s3, s2;
	[dreg:$0xa] =	wrdreg s0  }
0x8: {  	s2 =	sadd.s32 $0xA00, s2;
	s29 =	sshrl.u32 s15, $0x3;
	[dreg:$0x5] =	wrdreg s15  }
0x9: {  	[dreg:$0x6] =	wrdreg s2;
	s2 =	sadd.s32 s5, s29  }
0xa: {  	s16 =	simm.s32 $0x10000;
	s30 =	sadd.s32 $0xE00, s3;
	[dreg:$0x7] =	wrdreg s2  }
0xb: {  	v0 =	vlaneseq.u32;
	s17 =	simm.s32 $0x16000;
	s31 =	sadd.s32 $0x18E00, s3;
	[dreg:$0x8] =	wrdreg s30  }
0xc: {  	v1 =	vimm.f32 $0.0e+00;
	v2 =	vor.u32 $0x2000, v0;
	v3 =	vor.u32 $0x4000, v0;
	p0 =	sne.s32 s1, $0x0;
	[dreg:$0x9] =	wrdreg s31;
	s2 =	simm.s32 $0x0  }
.LBB2_1:
0xd: {  	[tilespmem:s6], [sflag:$0x1] =	stream.linear.gather [hbm4b:s11+s6], $0x2000, $0x38;
	[tilespmem:$0x1E000] =	vst v63  }
0xe: {  	s0 =	rddreg [dreg:$0x7]  }
0xf: {  	s1 =	simm.s32 $0x2000;
	s31 =	simm.s32 $0x40000;
	s3 =	simm.s32 $0x4000  }
0x10: {  	[tilespmem:s3], [sflag:$0x1] =	stream.strided.gather [hbm4b:s0+s1], $0x6000, s31, s1, $0x38;
	[tilespmem:$0x1E000] =	vst v63  }
0x11: {  	[dreg:$0xb] =	wrdreg s2;
	s0 =	simm.s32 $0x0;
	s1 =	simm.s32 $0x40  }
.LBB2_2:
0x12: {  	p1 =	sne.s32 s1, $0x7FC0;
	[tilespmem:s0+$0x1C000] =	vst v1  }
0x13: {  	[tilespmem:s0+$0x10000] =	vst v1  }
.Ltmp0:
0x14: {  	[tilespmem:s0+$0x16000] =	vst v1;
	(pc) =	sbr.rel @p1 .LBB2_2-.Ltmp0, $4  }
0x15: {  	[tilespmem:s0+$0x12000] =	vst v1  }
0x16: {  	[tilespmem:s0+$0x18000] =	vst v1  }
0x17: {  	[tilespmem:s0+$0x14000] =	vst v1  }
0x18: {  	[tilespmem:s0+$0x1A000] =	vst v1;
	s0 =	sshra.s32 s1, $0x2;
	s1 =	sadd.s32 $0x40, s1  }
0x19: {  	[tilespmem:s0+$0x1C000] =	vst v1  }
0x1a: {  	[tilespmem:s0+$0x10000] =	vst v1  }
0x1b: {  	[tilespmem:s0+$0x16000] =	vst v1  }
0x1c: {  	[tilespmem:s0+$0x12000] =	vst v1  }
0x1d: {  	[tilespmem:s0+$0x18000] =	vst v1  }
0x1e: {  	[tilespmem:s0+$0x14000] =	vst v1  }
0x1f: {  	[tilespmem:s0+$0x1A000] =	vst v1;
	s22 =	simm.s32 $0x0  }
.LBB2_4:
0x20: {  	s23 =	sshll.u32 s22, $0xE  }
0x21: {  	s2 =	simm.s32 $0x2000;
	s0 =	sor.u32 $0x2000, s23  }
0x22: {  	s3 =	simm.s32 $0x0;
	s1 =	sshrl.u32 s0, $0x3;
	s0 =	sor.u32 s15, s0  }
0x23: {  	s29 =	simm.s32 $0x40000;
	s1 =	sadd.s32 s11, s1;
	s0 =	sshrl.u32 s0, $0x3  }
0x24: {  	[tilespmem:s2], [sflag:$0x2] =	stream.linear.gather [hbm4b:s1+s3], $0x2000, $0x38;
	[tilespmem:$0x1E000] =	vst v63  }
0x25: {  	s30 =	simm.s32 $0xA000;
	s31 =	simm.s32 $0x1;
	s0 =	sadd.s32 s5, s0  }
0x26: {  	[tilespmem:s30], [sflag:$0x2] =	stream.strided.gather [hbm4b:s0+s2], $0x6000, s29, s2, $0x38;
	[tilespmem:$0x1E000] =	vst v63  }
0x27: {  	_ =	swait.ge [sflag:s31], $0x2000  }
0x28: {  	[sflag:s31] =	ssyncset.done $0x0  }
0x29: {  	[sflag:s31] =	ssyncadd.s32 $0xFFFFE000  }
0x2a: {  	_ =	swait.ge [sflag:s31], $0x6000  }
0x2b: {  	[sflag:s31] =	ssyncset.done $0x0  }
0x2c: {  	s24 =	simm.s32 $0x0;
	[sflag:s31] =	ssyncadd.s32 $0xFFFFA000  }
.LBB2_5:
0x2d: {  	s0 =	sshll.u32 s24, $0x9;
	s1 =	sshll.u32 s24, $0x7  }
0x2e: {  	s12 =	simm.s32 $0x0;
	s0 =	sand.u32 $0x1000, s0;
	s1 =	sand.u32 $0x380, s1  }
0x2f: {  	s13 =	sand.u32 $0xC00, s12;
	s25 =	sor.u32 s0, s1  }
0x30: {  	s0 =	sand.u32 $0x40, s12;
	s4 =	sor.u32 s13, s25  }
0x31: {  	s7 =	sor.u32 s0, s4  }
0x32: {  	s8 =	sor.u32 $0x10, s0;
	v5 =	vld [tilespmem:s7+$0x0]  }
0x33: {  	s19 =	sor.u32 $0x30, s0;
	s9 =	sor.u32 s8, s4;
	v7 =	vld [tilespmem:s7+$0x4000]  }
0x34: {  	s21 =	sor.u32 s19, s4;
	v10 =	vld [tilespmem:s9+$0x4000]  }
0x35: {  	s26 =	sor.u32 $0x6000, s25;
	v12 =	vld [tilespmem:s21+$0x4000]  }
0x36: {  	s3 =	sor.u32 $0x20, s0;
	s2 =	sadd.s32 s13, s26;
	v13 =	vld [tilespmem:s21+$0x0]  }
0x37: {  	s6 =	sadd.s32 s3, s2;
	v16 =	vld [tilespmem:s9+$0x0]  }
0x38: {  	s28 =	sor.u32 $0x8000, s25;
	s14 =	sadd.s32 s0, s2;
	v6 =	vld [tilespmem:s6+$0x0]  }
0x39: {  	s1 =	sadd.s32 s13, s28;
	s18 =	sadd.s32 s8, s2;
	v8 =	vld [tilespmem:s14+$0x0]  }
0x3a: {  	s20 =	sadd.s32 s19, s1;
	v9 =	vld [tilespmem:s18+$0x0]  }
0x3b: {  	s10 =	sadd.s32 s3, s1;
	v4 =	vld [tilespmem:s20+$0x0]  }
0x3c: {  	s8 =	sadd.s32 s8, s1;
	v11 =	vld [tilespmem:s10+$0x0];
	v14 =	vshll.u32 v5, $0x4  }
0x3d: {  	s3 =	sor.u32 s3, s4;
	v15 =	vld [tilespmem:s8+$0x0];
	v5 =	vor.u32 v0, v14  }
0x3e: {  	v17 =	vld [tilespmem:s3+$0x4000]  }
0x3f: {  	s0 =	sadd.s32 s0, s1;
	v18 =	vld [tilespmem:s3+$0x0];
	v19 =	vadd.s32 v2, v14  }
0x40: {  	s30 =	sadd.s32 s19, s2;
	v20 =	vld [tilespmem:s0+$0x0]  }
0x41: {  	v21 =	vld [tilespmem:s30+$0x0];
	v22 =	vmul.f32 v7, v7;
	v14 =	vadd.s32 v3, v14  }
0x42: {  	v16 =	vshll.u32 v16, $0x4;
	[tilespmem:v5+s16+$0x0] =	vst.idx.add.f32.msk $0xffff, v7  }
0x43: {  	v57 =	vmul.f32 v8, v8;
	v7 =	vor.u32 v0, v16;
	[tilespmem:v5+s17+$0x0] =	vst.idx.add.f32.msk $0xffff, v22  }
0x44: {  	[tilespmem:v19+s16+$0x0] =	vst.idx.add.f32.msk $0xffff, v8  }
0x45: {  	v58 =	vadd.s32 v2, v16;
	v8 =	vmul.f32 v20, v20;
	[tilespmem:v19+s17+$0x0] =	vst.idx.add.f32.msk $0xffff, v57  }
0x46: {  	[tilespmem:v14+s16+$0x0] =	vst.idx.add.f32.msk $0xffff, v20  }
0x47: {  	v59 =	vadd.s32 v3, v16;
	[tilespmem:v14+s17+$0x0] =	vst.idx.add.f32.msk $0xffff, v8;
	v8 =	vmul.f32 v10, v10  }
0x48: {  	v60 =	vshll.u32 v18, $0x4;
	[tilespmem:v7+s16+$0x0] =	vst.idx.add.f32.msk $0xffff, v10  }
0x49: {  	v10 =	vmul.f32 v9, v9;
	[tilespmem:v7+s17+$0x0] =	vst.idx.add.f32.msk $0xffff, v8;
	v8 =	vor.u32 v0, v60  }
0x4a: {  	[tilespmem:v58+s16+$0x0] =	vst.idx.add.f32.msk $0xffff, v9  }
0x4b: {  	v9 =	vmul.f32 v15, v15;
	[tilespmem:v58+s17+$0x0] =	vst.idx.add.f32.msk $0xffff, v10;
	v10 =	vadd.s32 v2, v60  }
0x4c: {  	[tilespmem:v59+s16+$0x0] =	vst.idx.add.f32.msk $0xffff, v15  }
0x4d: {  	v61 =	vadd.s32 v3, v60;
	[tilespmem:v59+s17+$0x0] =	vst.idx.add.f32.msk $0xffff, v9;
	v9 =	vmul.f32 v17, v17  }
0x4e: {  	v13 =	vshll.u32 v13, $0x4;
	[tilespmem:v8+s16+$0x0] =	vst.idx.add.f32.msk $0xffff, v17  }
0x4f: {  	v62 =	vmul.f32 v6, v6;
	[tilespmem:v8+s17+$0x0] =	vst.idx.add.f32.msk $0xffff, v9;
	v9 =	vor.u32 v0, v13  }
0x50: {  	[tilespmem:v10+s16+$0x0] =	vst.idx.add.f32.msk $0xffff, v6  }
0x51: {  	v63 =	vadd.s32 v2, v13;
	v6 =	vmul.f32 v11, v11;
	[tilespmem:v10+s17+$0x0] =	vst.idx.add.f32.msk $0xffff, v62  }
0x52: {  	[tilespmem:v61+s16+$0x0] =	vst.idx.add.f32.msk $0xffff, v11  }
0x53: {  	[tilespmem:v61+s17+$0x0] =	vst.idx.add.f32.msk $0xffff, v6;
	v6 =	vmul.f32 v12, v12  }
0x54: {  	v10 =	vadd.s32 v3, v13;
	[tilespmem:v9+s16+$0x0] =	vst.idx.add.f32.msk $0xffff, v12  }
0x55: {  	[tilespmem:v9+s17+$0x0] =	vst.idx.add.f32.msk $0xffff, v6;
	v6 =	vmul.f32 v21, v21  }
0x56: {  	[tilespmem:v63+s16+$0x0] =	vst.idx.add.f32.msk $0xffff, v21  }
0x57: {  	s29 =	simm.s32 $0x40;
	s31 =	simm.s32 $0x200;
	v11 =	vmul.f32 v4, v4;
	[tilespmem:v63+s17+$0x0] =	vst.idx.add.f32.msk $0xffff, v6  }
.LBB2_6:
0x58: {  	s0 =	sand.u32 $0xC00, s31  }
0x59: {  	[tilespmem:v10+s16+$0x0] =	vst.idx.add.f32.msk $0xffff, v4;
	s30 =	simm.s32 @!p0 $0x1C000;
	s1 =	smov.u32 s29;
	s29 =	sadd.s32 $0x40, s29  }
0x5a: {  	v6 =	vimm.f32 @!p0 $1.000000000e+00;
	s1 =	sand.u32 $0x40, s1;
	s2 =	sor.u32 s0, s25;
	p1 =	sne.s32 s29, $0x200;
	[tilespmem:v10+s17+$0x0] =	vst.idx.add.f32.msk $0xffff, v11  }
0x5b: {  	s4 =	sadd.s32 s0, s26;
	s3 =	sor.u32 s1, s2;
	s6 =	sor.u32 $0x20, s1;
	[tilespmem:v5+s30+$0x0] =	vst.idx.add.f32.msk @!p0 $0xffff, v6  }
0x5c: {  	s7 =	sadd.s32 s1, s4;
	s8 =	sadd.s32 s6, s4;
	[tilespmem:v7+s30+$0x0] =	vst.idx.add.f32.msk @!p0 $0xffff, v6  }
0x5d: {  	s9 =	sor.u32 s6, s2;
	[tilespmem:v8+s30+$0x0] =	vst.idx.add.f32.msk @!p0 $0xffff, v6  }
0x5e: {  	s0 =	sadd.s32 s0, s28;
	s10 =	sor.u32 $0x10, s1;
	s12 =	sor.u32 $0x30, s1;
	[tilespmem:v9+s30+$0x0] =	vst.idx.add.f32.msk @!p0 $0xffff, v6  }
0x5f: {  	s1 =	sadd.s32 s1, s0;
	s13 =	sadd.s32 s10, s0;
	s6 =	sadd.s32 s6, s0;
	v10 =	vld [tilespmem:s8+$0x0]  }
0x60: {  	s14 =	sor.u32 s12, s2;
	s0 =	sadd.s32 s12, s0;
	s8 =	sadd.s32 s10, s4;
	v4 =	vld [tilespmem:s3+$0x0]  }
0x61: {  	s2 =	sor.u32 s10, s2;
	s4 =	sadd.s32 s12, s4;
	v8 =	vld [tilespmem:s7+$0x0]  }
0x62: {  	v7 =	vld [tilespmem:s3+$0x4000]  }
0x63: {  	v9 =	vld [tilespmem:s8+$0x0]  }
0x64: {  	v11 =	vld [tilespmem:s2+$0x4000]  }
0x65: {  	v12 =	vshll.u32 v4, $0x4;
	v4 =	vld [tilespmem:s0+$0x0]  }
0x66: {  	v13 =	vld [tilespmem:s6+$0x0]  }
0x67: {  	v14 =	vld [tilespmem:s14+$0x4000]  }
0x68: {  	v15 =	vld [tilespmem:s14+$0x0]  }
0x69: {  	v16 =	vld [tilespmem:s13+$0x0]  }
0x6a: {  	v5 =	vor.u32 v0, v12;
	v17 =	vld [tilespmem:s2+$0x0]  }
0x6b: {  	v18 =	vld [tilespmem:s9+$0x4000]  }
0x6c: {  	v20 =	vadd.s32 v2, v12;
	v19 =	vld [tilespmem:s9+$0x0]  }
0x6d: {  	v21 =	vld [tilespmem:s1+$0x0];
	v15 =	vshll.u32 v15, $0x4  }
0x6e: {  	v12 =	vadd.s32 v3, v12;
	v23 =	vmul.f32 v7, v7;
	v22 =	vld [tilespmem:s4+$0x0]  }
0x6f: {  	v17 =	vshll.u32 v17, $0x4;
	[tilespmem:v5+s16+$0x0] =	vst.idx.add.f32.msk $0xffff, v7  }
0x70: {  	[tilespmem:v5+s17+$0x0] =	vst.idx.add.f32.msk $0xffff, v23;
	v23 =	vmul.f32 v8, v8;
	v7 =	vor.u32 v0, v17  }
0x71: {  	v19 =	vshll.u32 v19, $0x4;
	[tilespmem:v20+s16+$0x0] =	vst.idx.add.f32.msk $0xffff, v8  }
0x72: {  	[tilespmem:v20+s17+$0x0] =	vst.idx.add.f32.msk $0xffff, v23;
	v8 =	vmul.f32 v21, v21;
	v20 =	vadd.s32 v2, v17  }
0x73: {  	[tilespmem:v12+s16+$0x0] =	vst.idx.add.f32.msk $0xffff, v21  }
0x74: {  	[tilespmem:v12+s17+$0x0] =	vst.idx.add.f32.msk $0xffff, v8;
	v8 =	vmul.f32 v11, v11;
	v12 =	vadd.s32 v3, v17  }
0x75: {  	[tilespmem:v7+s16+$0x0] =	vst.idx.add.f32.msk $0xffff, v11  }
0x76: {  	v11 =	vmul.f32 v9, v9;
	[tilespmem:v7+s17+$0x0] =	vst.idx.add.f32.msk $0xffff, v8;
	v8 =	vor.u32 v0, v19  }
0x77: {  	[tilespmem:v20+s16+$0x0] =	vst.idx.add.f32.msk $0xffff, v9  }
0x78: {  	v9 =	vmul.f32 v16, v16;
	[tilespmem:v20+s17+$0x0] =	vst.idx.add.f32.msk $0xffff, v11;
	v11 =	vadd.s32 v2, v19  }
0x79: {  	[tilespmem:v12+s16+$0x0] =	vst.idx.add.f32.msk $0xffff, v16  }
0x7a: {  	[tilespmem:v12+s17+$0x0] =	vst.idx.add.f32.msk $0xffff, v9;
	v9 =	vmul.f32 v18, v18;
	v12 =	vadd.s32 v3, v19  }
0x7b: {  	[tilespmem:v8+s16+$0x0] =	vst.idx.add.f32.msk $0xffff, v18  }
0x7c: {  	v16 =	vmul.f32 v10, v10;
	[tilespmem:v8+s17+$0x0] =	vst.idx.add.f32.msk $0xffff, v9;
	v9 =	vor.u32 v0, v15  }
0x7d: {  	[tilespmem:v11+s16+$0x0] =	vst.idx.add.f32.msk $0xffff, v10  }
0x7e: {  	v10 =	vmul.f32 v13, v13;
	[tilespmem:v11+s17+$0x0] =	vst.idx.add.f32.msk $0xffff, v16;
	v11 =	vadd.s32 v2, v15  }
0x7f: {  	[tilespmem:v12+s16+$0x0] =	vst.idx.add.f32.msk $0xffff, v13  }
.Ltmp1:
0x80: {  	[tilespmem:v12+s17+$0x0] =	vst.idx.add.f32.msk $0xffff, v10;
	v12 =	vmul.f32 v14, v14;
	v10 =	vadd.s32 v3, v15;
	(pc) =	sbr.rel @p1 .LBB2_6-.Ltmp1, $4  }
0x81: {  	[tilespmem:v9+s16+$0x0] =	vst.idx.add.f32.msk $0xffff, v14  }
0x82: {  	[tilespmem:v9+s17+$0x0] =	vst.idx.add.f32.msk $0xffff, v12;
	v12 =	vmul.f32 v22, v22  }
0x83: {  	[tilespmem:v11+s16+$0x0] =	vst.idx.add.f32.msk $0xffff, v22  }
0x84: {  	s31 =	sadd.s32 $0x200, s31;
	[tilespmem:v11+s17+$0x0] =	vst.idx.add.f32.msk $0xffff, v12;
	v11 =	vmul.f32 v4, v4  }
0x85: {  	_ =	sdelay $0x2  }
0x86: {  	s24 =	sadd.s32 $0x1, s24  }
0x87: {  	[tilespmem:v10+s16+$0x0] =	vst.idx.add.f32.msk $0xffff, v4;
	p1 =	sne.s32 s24, $0x10  }
.Ltmp2:
0x88: {  	[tilespmem:v10+s17+$0x0] =	vst.idx.add.f32.msk $0xffff, v11;
	(pc) =	sbr.rel @p1 .LBB2_5-.Ltmp2, $4  }
0x89: {  	[tilespmem:v5+s30+$0x0] =	vst.idx.add.f32.msk @!p0 $0xffff, v6  }
0x8a: {  	[tilespmem:v7+s30+$0x0] =	vst.idx.add.f32.msk @!p0 $0xffff, v6  }
0x8b: {  	[tilespmem:v8+s30+$0x0] =	vst.idx.add.f32.msk @!p0 $0xffff, v6  }
0x8c: {  	[tilespmem:v9+s30+$0x0] =	vst.idx.add.f32.msk @!p0 $0xffff, v6  }
0x8d: {  	p1 =	seq.s32 s22, $0xF  }
0x8e: {  	s31 =	simm.s32 $0x2;
	s0 =	sadd.s32 @!p1 $0x4000, s23  }
0x8f: {  	s2 =	simm.s32 @!p1 $0x0;
	s1 =	sshrl.u32 @!p1 s0, $0x3;
	s0 =	sadd.s32 @!p1 s15, s0  }
0x90: {  	s3 =	simm.s32 @!p1 $0x4000;
	s1 =	sadd.s32 @!p1 s11, s1;
	s0 =	sshrl.u32 @!p1 s0, $0x3  }
0x91: {  	[tilespmem:s2], [sflag:$0x1] =	stream.linear.gather @!p1 [hbm4b:s1+s2], $0x2000, $0x38;
	[tilespmem:$0x1E000] =	vst v63  }
0x92: {  	s0 =	sadd.s32 @!p1 s5, s0;
	s1 =	simm.s32 @!p1 $0x2000;
	s2 =	simm.s32 @!p1 $0x40000  }
0x93: {  	[tilespmem:s3], [sflag:$0x1] =	stream.strided.gather @!p1 [hbm4b:s0+s1], $0x6000, s2, s1, $0x38;
	[tilespmem:$0x1E000] =	vst v63  }
0x94: {  	_ =	swait.ge [sflag:s31], $0x2000  }
0x95: {  	[sflag:s31] =	ssyncset.done $0x0  }
0x96: {  	[sflag:s31] =	ssyncadd.s32 $0xFFFFE000  }
0x97: {  	_ =	swait.ge [sflag:s31], $0x6000  }
0x98: {  	s18 =	smov.u32 s5;
	[sflag:s31] =	ssyncset.done $0x0  }
0x99: {  	s24 =	simm.s32 $0x0;
	s23 =	simm.s32 $0x0;
	[sflag:s31] =	ssyncadd.s32 $0xFFFFA000  }
.LBB2_9:
0x9a: {  	s0 =	sshll.u32 s24, $0x9;
	s1 =	sshll.u32 s24, $0x7  }
0x9b: {  	s0 =	sand.u32 $0x1000, s0;
	s1 =	sand.u32 $0x380, s1  }
0x9c: {  	s0 =	sor.u32 s1, s0  }
0x9d: {  	s2 =	sand.u32 $0xC00, s23;
	s25 =	sor.u32 $0xE000, s0  }
0x9e: {  	s3 =	sand.u32 $0x40, s23;
	s26 =	sor.u32 $0xA000, s0;
	s7 =	sadd.s32 s2, s25  }
0x9f: {  	s6 =	sor.u32 $0x30, s3;
	s21 =	sadd.s32 s2, s26;
	s9 =	sadd.s32 s3, s7  }
0xa0: {  	s10 =	sadd.s32 s6, s21;
	v12 =	vld [tilespmem:s9+$0x0]  }
0xa1: {  	s12 =	sor.u32 $0x20, s3;
	s1 =	sor.u32 $0x2000, s0;
	s11 =	sadd.s32 s3, s21;
	v4 =	vld [tilespmem:s10+$0x0]  }
0xa2: {  	s5 =	sor.u32 $0x10, s3;
	[dreg:$0x4] =	wrdreg s1;
	s14 =	sadd.s32 s12, s7;
	v18 =	vld [tilespmem:s11+$0x0]  }
0xa3: {  	s1 =	rddreg [dreg:$0x4];
	s19 =	sadd.s32 s5, s7;
	v7 =	vld [tilespmem:s14+$0x0]  }
0xa4: {  	s28 =	sor.u32 $0xC000, s0;
	s0 =	sadd.s32 s12, s21;
	s1 =	sadd.s32 s2, s1;
	v11 =	vld [tilespmem:s19+$0x0]  }
0xa5: {  	v13 =	vld [tilespmem:s0+$0x0];
	s4 =	sadd.s32 s3, s1  }
0xa6: {  	s8 =	sadd.s32 s6, s1;
	v6 =	vld [tilespmem:s4+$0x0]  }
0xa7: {  	s15 =	sadd.s32 s12, s1;
	v8 =	vld [tilespmem:s8+$0x0]  }
0xa8: {  	s9 =	sadd.s32 s5, s21;
	s2 =	sadd.s32 s2, s28;
	v14 =	vld [tilespmem:s15+$0x0]  }
0xa9: {  	v10 =	vld [tilespmem:s9+$0x0];
	s13 =	sadd.s32 s6, s2  }
0xaa: {  	s3 =	sadd.s32 s3, s2;
	v5 =	vld [tilespmem:s13+$0x0]  }
0xab: {  	s1 =	sadd.s32 s5, s1;
	v19 =	vld [tilespmem:s3+$0x0]  }
0xac: {  	s20 =	sadd.s32 s12, s2;
	v21 =	vld [tilespmem:s1+$0x0];
	v22 =	vmul.f32 v18, v18  }
0xad: {  	s21 =	sadd.s32 s5, s2;
	v9 =	vld [tilespmem:s20+$0x0];
	v15 =	vshll.u32 v6, $0x4;
	v8 =	vshll.u32 v8, $0x4;
	v14 =	vshll.u32 v14, $0x4  }
0xae: {  	s29 =	simm.s32 $0x40;
	s30 =	simm.s32 $0x0;
	s31 =	sadd.s32 s6, s7;
	v17 =	vld [tilespmem:s21+$0x0];
	v6 =	vor.u32 v0, v15;
	v16 =	vadd.s32 v3, v15;
	v20 =	vadd.s32 v2, v15  }
.LBB2_10:
0xaf: {  	_ =	sdelay $0x2  }
0xb0: {  	v15 =	vld [tilespmem:s31+$0x0]  }
0xb1: {  	[tilespmem:v6+s16+$0x0] =	vst.idx.add.f32.msk $0xffff, v18;
	v21 =	vshll.u32 v21, $0x4  }
0xb2: {  	[tilespmem:v6+s17+$0x0] =	vst.idx.add.f32.msk $0xffff, v22;
	v18 =	vmul.f32 v19, v19;
	v22 =	vor.u32 v0, v21  }
0xb3: {  	[tilespmem:v20+s16+$0x0] =	vst.idx.add.f32.msk $0xffff, v19  }
0xb4: {  	v19 =	vadd.s32 v2, v21;
	[tilespmem:v20+s17+$0x0] =	vst.idx.add.f32.msk $0xffff, v18;
	v18 =	vmul.f32 v12, v12  }
0xb5: {  	[tilespmem:v16+s16+$0x0] =	vst.idx.add.f32.msk $0xffff, v12  }
0xb6: {  	v12 =	vadd.s32 v3, v21;
	[tilespmem:v16+s17+$0x0] =	vst.idx.add.f32.msk $0xffff, v18;
	v16 =	vmul.f32 v10, v10  }
0xb7: {  	[tilespmem:v22+s16+$0x0] =	vst.idx.add.f32.msk $0xffff, v10  }
0xb8: {  	v10 =	vmul.f32 v17, v17;
	[tilespmem:v22+s17+$0x0] =	vst.idx.add.f32.msk $0xffff, v16;
	v16 =	vor.u32 v0, v14  }
0xb9: {  	[tilespmem:v19+s16+$0x0] =	vst.idx.add.f32.msk $0xffff, v17  }
0xba: {  	v17 =	vadd.s32 v2, v14;
	[tilespmem:v19+s17+$0x0] =	vst.idx.add.f32.msk $0xffff, v10;
	v10 =	vmul.f32 v11, v11  }
0xbb: {  	[tilespmem:v12+s16+$0x0] =	vst.idx.add.f32.msk $0xffff, v11  }
0xbc: {  	v11 =	vadd.s32 v3, v14;
	[tilespmem:v12+s17+$0x0] =	vst.idx.add.f32.msk $0xffff, v10;
	v10 =	vmul.f32 v13, v13  }
0xbd: {  	[tilespmem:v16+s16+$0x0] =	vst.idx.add.f32.msk $0xffff, v13  }
0xbe: {  	v12 =	vor.u32 v0, v8;
	[tilespmem:v16+s17+$0x0] =	vst.idx.add.f32.msk $0xffff, v10;
	v10 =	vmul.f32 v9, v9  }
0xbf: {  	[tilespmem:v17+s16+$0x0] =	vst.idx.add.f32.msk $0xffff, v9  }
0xc0: {  	s30 =	sadd.s32 $0x200, s30;
	v9 =	vmul.f32 v7, v7;
	[tilespmem:v17+s17+$0x0] =	vst.idx.add.f32.msk $0xffff, v10;
	v10 =	vadd.s32 v2, v8  }
0xc1: {  	s0 =	rddreg [dreg:$0x4];
	s1 =	smov.u32 s29;
	s2 =	sand.u32 $0xC00, s30;
	[tilespmem:v11+s16+$0x0] =	vst.idx.add.f32.msk $0xffff, v7  }
0xc2: {  	s3 =	sand.u32 $0x40, s1;
	s8 =	sadd.s32 s2, s0;
	s10 =	sadd.s32 s2, s25;
	v8 =	vadd.s32 v3, v8;
	v7 =	vmul.f32 v4, v4;
	[tilespmem:v11+s17+$0x0] =	vst.idx.add.f32.msk $0xffff, v9  }
0xc3: {  	s12 =	sor.u32 $0x10, s3;
	s13 =	sor.u32 $0x30, s3;
	s11 =	sadd.s32 s2, s26;
	[tilespmem:v12+s16+$0x0] =	vst.idx.add.f32.msk $0xffff, v4  }
0xc4: {  	s5 =	sadd.s32 s2, s28;
	s15 =	sor.u32 $0x20, s3;
	s7 =	sadd.s32 s3, s8;
	v4 =	vmul.f32 v5, v5;
	[tilespmem:v12+s17+$0x0] =	vst.idx.add.f32.msk $0xffff, v7  }
0xc5: {  	s9 =	sadd.s32 s13, s8;
	s31 =	sadd.s32 s13, s10;
	s0 =	sadd.s32 s15, s5;
	[tilespmem:v10+s16+$0x0] =	vst.idx.add.f32.msk $0xffff, v5  }
0xc6: {  	s14 =	sadd.s32 s13, s11;
	s6 =	sadd.s32 s12, s8;
	s21 =	sadd.s32 s12, s11;
	[tilespmem:v10+s17+$0x0] =	vst.idx.add.f32.msk $0xffff, v4;
	v4 =	vmul.f32 v15, v15  }
0xc7: {  	s4 =	sadd.s32 s15, s10;
	s1 =	sadd.s32 s3, s11;
	s8 =	sadd.s32 s15, s8;
	[tilespmem:v8+s16+$0x0] =	vst.idx.add.f32.msk $0xffff, v15  }
0xc8: {  	s11 =	sadd.s32 s15, s11;
	s15 =	sadd.s32 s13, s5;
	s13 =	simm.s32 @!p0 $0x1C000;
	v15 =	vimm.f32 @!p0 $1.000000000e+00;
	[tilespmem:v8+s17+$0x0] =	vst.idx.add.f32.msk $0xffff, v4  }
0xc9: {  	[tilespmem:v6+s13+$0x0] =	vst.idx.add.f32.msk @!p0 $0xffff, v15  }
0xca: {  	[tilespmem:v22+s13+$0x0] =	vst.idx.add.f32.msk @!p0 $0xffff, v15  }
0xcb: {  	[tilespmem:v16+s13+$0x0] =	vst.idx.add.f32.msk @!p0 $0xffff, v15  }
0xcc: {  	[tilespmem:v12+s13+$0x0] =	vst.idx.add.f32.msk @!p0 $0xffff, v15  }
0xcd: {  	v5 =	vld [tilespmem:s7+$0x0]  }
0xce: {  	s20 =	sadd.s32 s3, s10;
	v6 =	vld [tilespmem:s9+$0x0]  }
0xcf: {  	v12 =	vld [tilespmem:s20+$0x0]  }
0xd0: {  	v4 =	vld [tilespmem:s14+$0x0]  }
0xd1: {  	v10 =	vld [tilespmem:s21+$0x0]  }
0xd2: {  	v18 =	vld [tilespmem:s1+$0x0]  }
0xd3: {  	v7 =	vld [tilespmem:s4+$0x0]  }
0xd4: {  	s19 =	sadd.s32 s3, s5;
	v13 =	vld [tilespmem:s8+$0x0]  }
0xd5: {  	s29 =	sadd.s32 $0x40, s29;
	s10 =	sadd.s32 s12, s10;
	v19 =	vld [tilespmem:s19+$0x0]  }
0xd6: {  	p1 =	sne.s32 s29, $0x200;
	v11 =	vld [tilespmem:s10+$0x0]  }
.Ltmp3:
0xd7: {  	s2 =	sadd.s32 s12, s5;
	v21 =	vld [tilespmem:s6+$0x0];
	(pc) =	sbr.rel @p1 .LBB2_10-.Ltmp3, $4  }
0xd8: {  	v17 =	vld [tilespmem:s2+$0x0]  }
0xd9: {  	v9 =	vshll.u32 v5, $0x4;
	v5 =	vld [tilespmem:s15+$0x0]  }
0xda: {  	v8 =	vshll.u32 v6, $0x4;
	v14 =	vshll.u32 v13, $0x4;
	v13 =	vld [tilespmem:s11+$0x0];
	v22 =	vmul.f32 v18, v18  }
0xdb: {  	v6 =	vor.u32 v0, v9;
	v16 =	vadd.s32 v3, v9;
	v20 =	vadd.s32 v2, v9;
	v9 =	vld [tilespmem:s0+$0x0]  }
0xdc: {  	_ =	sdelay $0x2  }
0xdd: {  	v23 =	vld [tilespmem:s31+$0x0]  }
0xde: {  	v21 =	vshll.u32 v21, $0x4;
	[tilespmem:v6+s16+$0x0] =	vst.idx.add.f32.msk $0xffff, v18  }
0xdf: {  	v49 =	vmul.f32 v19, v19;
	[tilespmem:v6+s17+$0x0] =	vst.idx.add.f32.msk $0xffff, v22;
	v22 =	vor.u32 v0, v21  }
0xe0: {  	[tilespmem:v20+s16+$0x0] =	vst.idx.add.f32.msk $0xffff, v19  }
0xe1: {  	v51 =	vmul.f32 v12, v12;
	v50 =	vadd.s32 v2, v21;
	[tilespmem:v20+s17+$0x0] =	vst.idx.add.f32.msk $0xffff, v49  }
0xe2: {  	[tilespmem:v16+s16+$0x0] =	vst.idx.add.f32.msk $0xffff, v12  }
0xe3: {  	v53 =	vmul.f32 v10, v10;
	v52 =	vadd.s32 v3, v21;
	[tilespmem:v16+s17+$0x0] =	vst.idx.add.f32.msk $0xffff, v51  }
0xe4: {  	[tilespmem:v22+s16+$0x0] =	vst.idx.add.f32.msk $0xffff, v10  }
0xe5: {  	v54 =	vmul.f32 v17, v17;
	v16 =	vor.u32 v0, v14;
	[tilespmem:v22+s17+$0x0] =	vst.idx.add.f32.msk $0xffff, v53  }
0xe6: {  	[tilespmem:v50+s16+$0x0] =	vst.idx.add.f32.msk $0xffff, v17  }
0xe7: {  	v55 =	vmul.f32 v11, v11;
	v56 =	vadd.s32 v2, v14;
	[tilespmem:v50+s17+$0x0] =	vst.idx.add.f32.msk $0xffff, v54  }
0xe8: {  	[tilespmem:v52+s16+$0x0] =	vst.idx.add.f32.msk $0xffff, v11  }
0xe9: {  	v58 =	vadd.s32 v3, v14;
	v57 =	vmul.f32 v13, v13;
	[tilespmem:v52+s17+$0x0] =	vst.idx.add.f32.msk $0xffff, v55  }
0xea: {  	[tilespmem:v16+s16+$0x0] =	vst.idx.add.f32.msk $0xffff, v13  }
0xeb: {  	v59 =	vmul.f32 v9, v9;
	v12 =	vor.u32 v0, v8;
	[tilespmem:v16+s17+$0x0] =	vst.idx.add.f32.msk $0xffff, v57  }
0xec: {  	[tilespmem:v56+s16+$0x0] =	vst.idx.add.f32.msk $0xffff, v9  }
0xed: {  	v60 =	vmul.f32 v7, v7;
	v61 =	vadd.s32 v2, v8;
	[tilespmem:v56+s17+$0x0] =	vst.idx.add.f32.msk $0xffff, v59  }
0xee: {  	[tilespmem:v58+s16+$0x0] =	vst.idx.add.f32.msk $0xffff, v7  }
0xef: {  	v62 =	vmul.f32 v4, v4;
	v63 =	vadd.s32 v3, v8;
	[tilespmem:v58+s17+$0x0] =	vst.idx.add.f32.msk $0xffff, v60  }
0xf0: {  	[tilespmem:v12+s16+$0x0] =	vst.idx.add.f32.msk $0xffff, v4  }
0xf1: {  	v4 =	vmul.f32 v5, v5;
	[tilespmem:v12+s17+$0x0] =	vst.idx.add.f32.msk $0xffff, v62  }
0xf2: {  	[tilespmem:v61+s16+$0x0] =	vst.idx.add.f32.msk $0xffff, v5  }
0xf3: {  	s24 =	sadd.s32 $0x1, s24;
	[tilespmem:v61+s17+$0x0] =	vst.idx.add.f32.msk $0xffff, v4;
	v4 =	vmul.f32 v23, v23  }
0xf4: {  	p1 =	sne.s32 s24, $0x10;
	[tilespmem:v63+s16+$0x0] =	vst.idx.add.f32.msk $0xffff, v23  }
.Ltmp4:
0xf5: {  	[tilespmem:v63+s17+$0x0] =	vst.idx.add.f32.msk $0xffff, v4;
	(pc) =	sbr.rel @p1 .LBB2_9-.Ltmp4, $4  }
0xf6: {  	[tilespmem:v6+s13+$0x0] =	vst.idx.add.f32.msk @!p0 $0xffff, v15  }
0xf7: {  	[tilespmem:v22+s13+$0x0] =	vst.idx.add.f32.msk @!p0 $0xffff, v15  }
0xf8: {  	[tilespmem:v16+s13+$0x0] =	vst.idx.add.f32.msk @!p0 $0xffff, v15  }
0xf9: {  	[tilespmem:v12+s13+$0x0] =	vst.idx.add.f32.msk @!p0 $0xffff, v15  }
0xfa: {  	s22 =	sadd.s32 $0x1, s22  }
0xfb: {  	p1 =	sne.s32 s22, $0x10  }
.Ltmp5:
0xfc: {  	_ = 	snop;
	(pc) =	sbr.rel @p1 .LBB2_4-.Ltmp5, $3  }
0xfd: {  	_ =	sdelay $0x1  }
0xfe: {  	s11 =	rddreg [dreg:$0x1]  }
0xff: {  	s5 =	smov.u32 s18;
	s15 =	rddreg [dreg:$0x5]  }
0x100: {  	s6 =	simm.s32 $0x0;
	s0 =	rddreg [dreg:$0x8];
	s1 =	simm.s32 $0x3  }
0x101: {  	[hbm4b:s0+s6] =	stream.linear.scatter [tilespmem:s16], [sflag:$0x3], $0x6000, $0x38;
	[tilespmem:$0x1E000] =	vst v63  }
0x102: {  	_ =	swait.ge [sflag:s1], $0x6000  }
0x103: {  	[sflag:s1] =	ssyncset.done $0x0  }
0x104: {  	s29 =	rddreg [dreg:$0x9];
	[sflag:s1] =	ssyncadd.s32 $0xFFFFA000  }
0x105: {  	[hbm4b:s29+s6] =	stream.linear.scatter [tilespmem:s17], [sflag:$0x3], $0x6000, $0x38;
	[tilespmem:$0x1E000] =	vst v63  }
0x106: {  	_ =	swait.ge [sflag:s1], $0x6000  }
0x107: {  	s0 =	simm.s32 @!p0 $0x0;
	[sflag:s1] =	ssyncset.done $0x0  }
0x108: {  	s2 =	rddreg [dreg:$0x6];
	[sflag:s1] =	ssyncadd.s32 $0xFFFFA000;
	s1 =	simm.s32 @!p0 $0x1C000  }
0x109: {  	[hbm4b:s2+s0] =	stream.linear.scatter @!p0 [tilespmem:s1], [sflag:$0x3], $0x2000, $0x38;
	[tilespmem:$0x1E000] =	vst v63  }
0x10a: {  	s0 =	simm.s32 @!p0 $0x3  }
0x10b: {  	_ =	swait.ge @!p0 [sflag:s0], $0x2000  }
0x10c: {  	s30 =	rddreg [dreg:$0xb]  }
0x10d: {  	s31 =	rddreg [dreg:$0xa];
	s2 =	sadd.s32 $0x1, s30  }
0x10e: {  	p1 =	sne.s32 s2, s31  }
.Ltmp6:
0x10f: {  	_ = 	snop;
	(pc) =	sbr.rel @p1 .LBB2_1-.Ltmp6, $3  }
0x110: {  	_ =	sdelay $0x1  }
0x111: {  	[sflag:s0] =	ssyncset.done @!p0 $0x0  }
0x112: {  	[sflag:s0] =	ssyncadd.s32 @!p0 $0xFFFFE000  }
0x113: {  	_ =	sfence.sel $0x180000  }
0x114: {  	[bflag:$0x0] =	sbarrier.arrive $0xFFFF  }
0x115: {  	_ =	strace $0x90000047  }
0x116: {  	s0 =	stileid.u32;
	[bflag:$0x2] =	sbarrier.arrive $0xFFFF  }
0x117: {  	p0 =	sne.s32 s0, $0x0;
	s0 =	rddreg [dreg:$0x3]  }
0x118: {  	s0 =	sadd.s32 @!p0 $0x100000, s0  }
0x119: {  	[sflag:s0] =	ssyncadd.tile.s32 @!p0 $0x1;
	_ =	shalt  }
.Lfunc_end2:
_tile_overlayer_lowered:
.L_overlay_start_2:
0x11a: {  	(tag) =	ssettag $0x2  }
0x11b: {  	s0 =	rddreg [dreg:$0x0];
	s2 =	stileid.u32  }
0x11c: {  	s1 =	rddreg [dreg:$0x1];
	p0 =	sne.s32 s2, $0x0  }
0x11d: {  	s3 =	rddreg [dreg:$0x2];
	[bflag:$0x3] =	sbarrier.arrive $0xFFFF;
	s2 =	simm.s32 @!p0 $0x1C03  }
0x11e: {  	[timem:s3], [sflag:s2] =	dma.local @!p0 [hbm:s0], s1  }
0x11f: {  	s0 =	simm.s32 @!p0 $0x3  }
0x120: {  	_ =	swait.ge @!p0 [sflag:s0], s1  }
0x121: {  	s1 =	ssub.s32 @!p0 $0x0, s1;
	[sflag:s0] =	ssyncset.done @!p0 $0x0  }
0x122: {  	[sflag:s0] =	ssyncadd.s32 @!p0 s1  }
0x123: {  	[bflag:$0x3] =	sbarrier.arrive $0xFFFF  }
0x124: {  	_ =	shalt  }

</sc_bundles>
